<compile_context>
chip_gen: v7x
topology: tpu7x:2x2x1
jax: 0.10.2.dev20260603
libtpu: 0.0.44.dev20260713+nightly
codegen_flags: <defaults>
</compile_context>

<pallas_src>
import functools

import jax
import jax.numpy as jnp
from jax import lax
from jax.experimental import pallas as pl
from jax.experimental.pallas import tpu as pltpu
from jax.experimental.pallas import tpu_sc as plsc

N = 10000
E = 320000
D = 128
EPS = 1e-5

NC = 2
NS = 16
NW = NC * NS
EPW = E // NW
CHUNK = 80
NCHUNK = EPW // CHUNK
RPT = 632
N_PAD = NS * RPT
CW = 128


def _mesh():
    return plsc.VectorSubcoreMesh(core_axis_name="c", subcore_axis_name="s",
                                  num_cores=NC, num_subcores=NS)


def _sc_agg_body(with_count, *refs):
    if with_count:
        (table, packed3, zrow, ones_h, out, cnt_out, packed_all,
         sa_a, da_a, sa_b, da_b, rows_a, rows_b, acc, sem_a, sem_b) = refs
    else:
        (table, packed3, zrow, out, packed_all,
         sa_a, da_a, sa_b, da_b, rows_a, rows_b, acc, sem_a, sem_b) = refs

    c = lax.axis_index("c")
    s = lax.axis_index("s")
    wid = s * NC + c

    r0 = s * RPT
    pltpu.sync_copy(zrow.at[pl.ds(r0, RPT)], acc.at[pl.ds(r0, RPT)])

    pltpu.sync_copy(packed3.at[wid], packed_all)

    def unpack(i, sa, da):
        for k in range(CHUNK // 16):
            w = packed_all[i, pl.ds(k * 16, 16)]
            sa[pl.ds(k * 16, 16)] = w & 0xFFFF
            da[pl.ds(k * 16, 16)] = jnp.right_shift(w, 16)

    def wait_gather(sa, buf, sem):
        pltpu.make_async_copy(table.at[sa], buf, sem).wait()

    if with_count:
        pltpu.sync_copy(ones_h, rows_a)
        plsc.subcore_barrier()

        def cstep(i, carry):
            unpack(i, sa_a, da_a)
            pltpu.sync_copy(rows_a, acc.at[da_a], add=True)
            return carry

        lax.fori_loop(0, NCHUNK, cstep, 0)
        plsc.subcore_barrier()
        pltpu.sync_copy(acc.at[pl.ds(r0, RPT)], cnt_out.at[c, pl.ds(r0, RPT)])
        pltpu.sync_copy(zrow.at[pl.ds(r0, RPT)], acc.at[pl.ds(r0, RPT)])

    plsc.subcore_barrier()

    unpack(0, sa_a, da_a)
    pltpu.async_copy(table.at[sa_a], rows_a, sem_a)

    def pair(j, carry):
        i0 = 2 * j
        unpack(i0 + 1, sa_b, da_b)
        pltpu.async_copy(table.at[sa_b], rows_b, sem_b)
        wait_gather(sa_a, rows_a, sem_a)
        pltpu.sync_copy(rows_a, acc.at[da_a], add=True)
        unpack(i0 + 2, sa_a, da_a)
        pltpu.async_copy(table.at[sa_a], rows_a, sem_a)
        wait_gather(sa_b, rows_b, sem_b)
        pltpu.sync_copy(rows_b, acc.at[da_b], add=True)
        return carry

    lax.fori_loop(0, (NCHUNK - 1) // 2, pair, 0)
    wait_gather(sa_a, rows_a, sem_a)
    pltpu.sync_copy(rows_a, acc.at[da_a], add=True)

    plsc.subcore_barrier()

    pltpu.sync_copy(acc.at[pl.ds(r0, RPT)], out.at[c, pl.ds(r0, RPT)])


@functools.lru_cache(maxsize=None)
def _sc_agg(with_count):
    if with_count:
        out_type = (jax.ShapeDtypeStruct((NC, N_PAD, D), jnp.float32),
                    jax.ShapeDtypeStruct((NC, N_PAD, CW), jnp.float32))
    else:
        out_type = jax.ShapeDtypeStruct((NC, N_PAD, D), jnp.float32)
    return pl.kernel(
        functools.partial(_sc_agg_body, with_count),
        out_type=out_type,
        mesh=_mesh(),
        scratch_types=(
            pltpu.VMEM((NCHUNK, CHUNK), jnp.int32),
            pltpu.VMEM((CHUNK,), jnp.int32),
            pltpu.VMEM((CHUNK,), jnp.int32),
            pltpu.VMEM((CHUNK,), jnp.int32),
            pltpu.VMEM((CHUNK,), jnp.int32),
            pltpu.VMEM((CHUNK, D), jnp.float32),
            pltpu.VMEM((CHUNK, D), jnp.float32),
            pltpu.VMEM_SHARED((N_PAD, D), jnp.float32),
            pltpu.SemaphoreType.DMA,
            pltpu.SemaphoreType.DMA,
        ))


def _relu_body(x_ref, o_ref):
    o_ref[...] = jnp.maximum(x_ref[...], 0.0)


def _tc_relu(x):
    return pl.pallas_call(
        _relu_body,
        out_shape=jax.ShapeDtypeStruct((N, D), jnp.float32),
    )(x)


def _tc_layer_body(p_ref, cnt_ref, xin_ref, wl_ref, bl_ref, wr_ref,
                   g_ref, b_ref, out_ref):
    ssum = p_ref[0, :N] + p_ref[1, :N]
    cn = cnt_ref[0, :N] + cnt_ref[1, :N]
    inv = 1.0 / jnp.maximum(cn[:, 0:1], 1.0)
    agg = ssum * inv
    t = (jnp.dot(agg, wl_ref[...], preferred_element_type=jnp.float32)
         + jnp.dot(xin_ref[...], wr_ref[...], preferred_element_type=jnp.float32)
         + bl_ref[...][None, :])
    mean = jnp.mean(t, axis=0)
    var = jnp.mean((t - mean[None, :]) ** 2, axis=0)
    h = (g_ref[...][None, :] * (t - mean[None, :]) * lax.rsqrt(var + EPS)
         + b_ref[...][None, :])
    out_ref[...] = jnp.maximum(h, 0.0)


def _tc_layer(p, cnt, xin, wl, bl, wr, g, b):
    return pl.pallas_call(
        _tc_layer_body,
        out_shape=jax.ShapeDtypeStruct((N, D), jnp.float32),
    )(p, cnt, xin, wl, bl, wr, g, b)


def kernel(x, edge_index, Wl1, bl1, Wr1, g1, b1, Wl2, bl2, Wr2, g2, b2):
    src = edge_index[0].astype(jnp.int32)
    dst = edge_index[1].astype(jnp.int32)
    packed3 = (src | (dst << 16)).reshape(NW, NCHUNK, CHUNK)
    zrow = jnp.zeros((N_PAD, D), jnp.float32)
    ones_h = jnp.ones((CHUNK, CW), jnp.float32)

    r1 = _tc_relu(x)
    p1, cnt = _sc_agg(True)(r1, packed3, zrow, ones_h)
    h1 = _tc_layer(p1, cnt, x, Wl1, bl1, Wr1, g1, b1)
    p2 = _sc_agg(False)(h1, packed3, zrow)
    out = _tc_layer(p2, cnt, h1, Wl2, bl2, Wr2, g2, b2)
    return out

# --- scband reference (transcript-rebuilt; emitter-appended) ---
"""Pipeline reference for scband-encoder-4166118277412 (READ-ONLY COPY).

The authoritative reference and input builder live on the scoring server;
editing this copy changes nothing except your own understanding.
"""

import jax, jax.numpy as jnp
import numpy as np

N = 10000
E = 320000
D = 128
EPS = 1e-5


def _glorot(key, shape):
    fan_in, fan_out = shape[0], shape[1]
    limit = np.sqrt(6.0 / (fan_in + fan_out))
    return jax.random.uniform(key, shape, jnp.float32, -limit, limit)


def setup_inputs(seed: int = 0) -> dict:
    key = jax.random.key(seed)
    ks = jax.random.split(key, 10)
    x = jax.random.normal(ks[0], (N, D), dtype=jnp.float32)
    edge_index = jax.random.randint(ks[1], (2, E), 0, N, dtype=jnp.int64)
    # layer 1 params (MySAGEConv: lin_l with bias, lin_r without bias)
    Wl1 = _glorot(ks[2], (D, D))
    bl1 = jnp.zeros((D,), jnp.float32)
    Wr1 = _glorot(ks[3], (D, D))
    g1 = jnp.ones((D,), jnp.float32)
    b1 = jnp.zeros((D,), jnp.float32)
    # layer 2 params
    Wl2 = _glorot(ks[4], (D, D))
    bl2 = jnp.zeros((D,), jnp.float32)
    Wr2 = _glorot(ks[5], (D, D))
    g2 = jnp.ones((D,), jnp.float32)
    b2 = jnp.zeros((D,), jnp.float32)
    return {"x": x, "edge_index": edge_index,
            "Wl1": Wl1, "bl1": bl1, "Wr1": Wr1, "g1": g1, "b1": b1,
            "Wl2": Wl2, "bl2": bl2, "Wr2": Wr2, "g2": g2, "b2": b2}


def _sage_layer(x, edge_index, Wl, bl, Wr):
    src = edge_index[0]
    dst = edge_index[1]
    # message: relu(x_j) (no edge_attr)
    msg = jax.nn.relu(jnp.take(x, src, axis=0))
    # mean aggregation at destination nodes
    s = jax.ops.segment_sum(msg, dst, num_segments=x.shape[0])
    cnt = jax.ops.segment_sum(jnp.ones((edge_index.shape[1],), jnp.float32), dst,
                              num_segments=x.shape[0])
    agg = s / jnp.clip(cnt, 1.0, None)[:, None]
    # out = lin_l(agg) + lin_r(x)
    return agg @ Wl + bl + x @ Wr


def _batchnorm(x, gamma, beta):
    mean = jnp.mean(x, axis=0)
    var = jnp.var(x, axis=0)
    return gamma * (x - mean) / jnp.sqrt(var + EPS) + beta


def reference(x, edge_index, Wl1, bl1, Wr1, g1, b1, Wl2, bl2, Wr2, g2, b2):
    h = _sage_layer(x, edge_index, Wl1, bl1, Wr1)
    h = _batchnorm(h, g1, b1)
    h = jax.nn.relu(h)
    h = _sage_layer(h, edge_index, Wl2, bl2, Wr2)
    h = _batchnorm(h, g2, b2)
    h = jax.nn.relu(h)
    return h

if __name__ == "__main__":
    import jax
    _d = setup_inputs()
    print(jax.jit(kernel)(*tuple(_d.values())))

</pallas_src>

<mosaic_0001>
#map = affine_map<(d0, d1) -> (0, 0)>
#map1 = affine_map<(d0, d1) -> (0, 0, 0)>
module attributes {stable_mosaic.version = 14 : i64} {
  func.func @_sc_agg_body(%arg0: i32, %arg1: i32, %arg2: memref<10000x128xf32, #tpu.memory_space<hbm>>, %arg3: memref<32x125x80xi32, #tpu.memory_space<hbm>>, %arg4: memref<10112x128xf32, #tpu.memory_space<hbm>>, %arg5: memref<80x128xf32, #tpu.memory_space<hbm>>, %arg6: memref<2x10112x128xf32, #tpu.memory_space<hbm>>, %arg7: memref<2x10112x128xf32, #tpu.memory_space<hbm>>, %arg8: memref<125x80xi32, #tpu.memory_space<vmem>>, %arg9: memref<80xi32, #tpu.memory_space<vmem>>, %arg10: memref<80xi32, #tpu.memory_space<vmem>>, %arg11: memref<80xi32, #tpu.memory_space<vmem>>, %arg12: memref<80xi32, #tpu.memory_space<vmem>>, %arg13: memref<80x128xf32, #tpu.memory_space<vmem>>, %arg14: memref<80x128xf32, #tpu.memory_space<vmem>>, %arg15: memref<10112x128xf32, #tpu.memory_space<vmem_shared>>, %arg16: memref<!tpu.dma_semaphore, #tpu.memory_space<semaphore_mem>>, %arg17: memref<!tpu.dma_semaphore, #tpu.memory_space<semaphore_mem>>) attributes {dimension_semantics = [#tpu.dimension_semantics<core_parallel>, #tpu.dimension_semantics<subcore_parallel>], iteration_bounds = array<i64: 2, 16>, scalar_prefetch = 0 : i64, scratch_operands = 10 : i64, tpu.core_type = #tpu.core_type<sc_vector_subcore>, window_params = [{transform_indices = #map}, {transform_indices = #map1}, {transform_indices = #map}, {transform_indices = #map}, {transform_indices = #map1}, {transform_indices = #map1}]} {
    %mul3A = arith.constant 2 : i32
    %mul3A_0 = arith.muli %arg1, %mul3A : i32
    %add3A = arith.addi %mul3A_0, %arg0 : i32
    %mul3A_1 = arith.constant 632 : i32
    %mul3A_2 = arith.muli %arg1, %mul3A_1 : i32
    "tpu.region"() ({
      %run_scoped3A = tpu.sem_alloc : memref<!tpu.dma_semaphore, #tpu.memory_space<semaphore_mem>>
      %dma_start3A_112 = arith.constant 0 : i32
      %dma_start3A_113 = tpu.memref_slice %arg15[%mul3A_2, %dma_start3A_112] : memref<10112x128xf32, #tpu.memory_space<vmem_shared>> -> memref<632x128xf32, #tpu.memory_space<vmem_shared>>
      %dma_start3A_114 = arith.constant 0 : i32
      %dma_start3A_115 = tpu.memref_slice %arg4[%mul3A_2, %dma_start3A_114] : memref<10112x128xf32, #tpu.memory_space<hbm>> -> memref<632x128xf32, #tpu.memory_space<hbm>>
      tpu.enqueue_dma source(%dma_start3A_115 : memref<632x128xf32, #tpu.memory_space<hbm>>) target(%dma_start3A_113 : memref<632x128xf32, #tpu.memory_space<vmem_shared>>) target_semaphore(%run_scoped3A : memref<!tpu.dma_semaphore, #tpu.memory_space<semaphore_mem>>)
      %dma_wait3A_116 = arith.constant 0 : i32
      %dma_wait3A_117 = tpu.memref_slice %arg15[%mul3A_2, %dma_wait3A_116] : memref<10112x128xf32, #tpu.memory_space<vmem_shared>> -> memref<632x128xf32, #tpu.memory_space<vmem_shared>>
      %dma_wait3A_118 = arith.constant 0 : i32
      %dma_wait3A_119 = tpu.memref_slice %arg4[%mul3A_2, %dma_wait3A_118] : memref<10112x128xf32, #tpu.memory_space<hbm>> -> memref<632x128xf32, #tpu.memory_space<hbm>>
      tpu.wait_dma2 semaphore(%run_scoped3A : memref<!tpu.dma_semaphore, #tpu.memory_space<semaphore_mem>>) src(%dma_wait3A_119 : memref<632x128xf32, #tpu.memory_space<hbm>>) dst(%dma_wait3A_117 : memref<632x128xf32, #tpu.memory_space<vmem_shared>>)
      tpu.yield
    }) : () -> ()
    "tpu.region"() ({
      %run_scoped3A = tpu.sem_alloc : memref<!tpu.dma_semaphore, #tpu.memory_space<semaphore_mem>>
      %dma_start3A_112 = arith.constant 0 : i32
      %dma_start3A_113 = arith.constant 0 : i32
      %dma_start3A_114 = tpu.memref_slice %arg3[%add3A, %dma_start3A_112, %dma_start3A_113] : memref<32x125x80xi32, #tpu.memory_space<hbm>> -> memref<1x125x80xi32, #tpu.memory_space<hbm>>
      %dma_start3A_115 = tpu.memref_squeeze %dma_start3A_114 : memref<1x125x80xi32, #tpu.memory_space<hbm>> -> memref<125x80xi32, #tpu.memory_space<hbm>>
      %dma_start3A_116 = arith.constant 0 : i32
      %dma_start3A_117 = arith.constant 0 : i32
      %dma_start3A_118 = tpu.memref_slice %arg3[%add3A, %dma_start3A_116, %dma_start3A_117] : memref<32x125x80xi32, #tpu.memory_space<hbm>> -> memref<1x125x80xi32, #tpu.memory_space<hbm>>
      %dma_start3A_119 = tpu.memref_squeeze %dma_start3A_118 : memref<1x125x80xi32, #tpu.memory_space<hbm>> -> memref<125x80xi32, #tpu.memory_space<hbm>>
      tpu.enqueue_dma source(%dma_start3A_119 : memref<125x80xi32, #tpu.memory_space<hbm>>) target(%arg8 : memref<125x80xi32, #tpu.memory_space<vmem>>) target_semaphore(%run_scoped3A : memref<!tpu.dma_semaphore, #tpu.memory_space<semaphore_mem>>)
      %dma_wait3A_120 = arith.constant 0 : i32
      %dma_wait3A_121 = arith.constant 0 : i32
      %dma_wait3A_122 = tpu.memref_slice %arg3[%add3A, %dma_wait3A_120, %dma_wait3A_121] : memref<32x125x80xi32, #tpu.memory_space<hbm>> -> memref<1x125x80xi32, #tpu.memory_space<hbm>>
      %dma_wait3A_123 = tpu.memref_squeeze %dma_wait3A_122 : memref<1x125x80xi32, #tpu.memory_space<hbm>> -> memref<125x80xi32, #tpu.memory_space<hbm>>
      %dma_wait3A_124 = arith.constant 0 : i32
      %dma_wait3A_125 = arith.constant 0 : i32
      %dma_wait3A_126 = tpu.memref_slice %arg3[%add3A, %dma_wait3A_124, %dma_wait3A_125] : memref<32x125x80xi32, #tpu.memory_space<hbm>> -> memref<1x125x80xi32, #tpu.memory_space<hbm>>
      %dma_wait3A_127 = tpu.memref_squeeze %dma_wait3A_126 : memref<1x125x80xi32, #tpu.memory_space<hbm>> -> memref<125x80xi32, #tpu.memory_space<hbm>>
      tpu.wait_dma2 semaphore(%run_scoped3A : memref<!tpu.dma_semaphore, #tpu.memory_space<semaphore_mem>>) src(%dma_wait3A_127 : memref<125x80xi32, #tpu.memory_space<hbm>>) dst(%arg8 : memref<125x80xi32, #tpu.memory_space<vmem>>)
      tpu.yield
    }) : () -> ()
    "tpu.region"() ({
      %run_scoped3A = tpu.sem_alloc : memref<!tpu.dma_semaphore, #tpu.memory_space<semaphore_mem>>
      tpu.enqueue_dma source(%arg5 : memref<80x128xf32, #tpu.memory_space<hbm>>) target(%arg13 : memref<80x128xf32, #tpu.memory_space<vmem>>) target_semaphore(%run_scoped3A : memref<!tpu.dma_semaphore, #tpu.memory_space<semaphore_mem>>)
      tpu.wait_dma2 semaphore(%run_scoped3A : memref<!tpu.dma_semaphore, #tpu.memory_space<semaphore_mem>>) src(%arg5 : memref<80x128xf32, #tpu.memory_space<hbm>>) dst(%arg13 : memref<80x128xf32, #tpu.memory_space<vmem>>)
      tpu.yield
    }) : () -> ()
    %barrier3A = arith.constant 0 : index
    tpu.barrier barrier_id(%barrier3A)
    %scan3A = arith.constant 0 : i32
    %scan3A_3 = arith.constant 0 : i32
    %scan3A_4 = arith.constant 125 : i32
    %scan3A_5 = arith.addi %scan3A_3, %scan3A_4 : i32
    %scan3A_6 = arith.constant 1 : i32
    scf.for %scan3A_112 = %scan3A_3 to %scan3A_5 step %scan3A_6  : i32 {
      %get3A_113 = arith.index_cast %scan3A_112 : i32 to index
      %get3A_114 = arith.constant 0 : index
      %get3A_115 = tpu.vector_load %arg8[%get3A_113, %get3A_114] {strides = array<i32>} : memref<125x80xi32, #tpu.memory_space<vmem>>, vector<1x16xi32>,
      %get3A_116 = vector.shape_cast %get3A_115 : vector<1x16xi32> to vector<16xi32>
      %and3A_117 = arith.constant 65535 : i32
      %and3A_118 = vector.broadcast %and3A_117 : i32 to vector<16xi32>
      %and3A_119 = arith.andi %get3A_116, %and3A_118 : vector<16xi32>
      %swap3A_120 = arith.constant 0 : index
      %swap3A_121 = tpu.vector_load %arg9[%swap3A_120] {strides = array<i32>} : memref<80xi32, #tpu.memory_space<vmem>>, vector<16xi32>,
      %swap3A_122 = vector.shape_cast %swap3A_121 : vector<16xi32> to vector<16xi32>
      %swap3A_123 = vector.shape_cast %and3A_119 : vector<16xi32> to vector<16xi32>
      tpu.vector_store %arg9[%swap3A_120], %swap3A_123 {strides = array<i32>} : memref<80xi32, #tpu.memory_space<vmem>>, vector<16xi32>,
      %shift_right_arithmetic3A_124 = arith.constant 16 : i32
      %shift_right_arithmetic3A_125 = vector.broadcast %shift_right_arithmetic3A_124 : i32 to vector<16xi32>
      %shift_right_arithmetic3A_126 = arith.shrsi %get3A_116, %shift_right_arithmetic3A_125 : vector<16xi32>
      %swap3A_127 = arith.constant 0 : index
      %swap3A_128 = tpu.vector_load %arg10[%swap3A_127] {strides = array<i32>} : memref<80xi32, #tpu.memory_space<vmem>>, vector<16xi32>,
      %swap3A_129 = vector.shape_cast %swap3A_128 : vector<16xi32> to vector<16xi32>
      %swap3A_130 = vector.shape_cast %shift_right_arithmetic3A_126 : vector<16xi32> to vector<16xi32>
      tpu.vector_store %arg10[%swap3A_127], %swap3A_130 {strides = array<i32>} : memref<80xi32, #tpu.memory_space<vmem>>, vector<16xi32>,
      %get3A_131 = arith.index_cast %scan3A_112 : i32 to index
      %get3A_132 = arith.constant 16 : index
      %get3A_133 = tpu.vector_load %arg8[%get3A_131, %get3A_132] {strides = array<i32>} : memref<125x80xi32, #tpu.memory_space<vmem>>, vector<1x16xi32>,
      %get3A_134 = vector.shape_cast %get3A_133 : vector<1x16xi32> to vector<16xi32>
      %and3A_135 = arith.constant 65535 : i32
      %and3A_136 = vector.broadcast %and3A_135 : i32 to vector<16xi32>
      %and3A_137 = arith.andi %get3A_134, %and3A_136 : vector<16xi32>
      %swap3A_138 = arith.constant 16 : index
      %swap3A_139 = tpu.vector_load %arg9[%swap3A_138] {strides = array<i32>} : memref<80xi32, #tpu.memory_space<vmem>>, vector<16xi32>,
      %swap3A_140 = vector.shape_cast %swap3A_139 : vector<16xi32> to vector<16xi32>
      %swap3A_141 = vector.shape_cast %and3A_137 : vector<16xi32> to vector<16xi32>
      tpu.vector_store %arg9[%swap3A_138], %swap3A_141 {strides = array<i32>} : memref<80xi32, #tpu.memory_space<vmem>>, vector<16xi32>,
      %shift_right_arithmetic3A_142 = arith.constant 16 : i32
      %shift_right_arithmetic3A_143 = vector.broadcast %shift_right_arithmetic3A_142 : i32 to vector<16xi32>
      %shift_right_arithmetic3A_144 = arith.shrsi %get3A_134, %shift_right_arithmetic3A_143 : vector<16xi32>
      %swap3A_145 = arith.constant 16 : index
      %swap3A_146 = tpu.vector_load %arg10[%swap3A_145] {strides = array<i32>} : memref<80xi32, #tpu.memory_space<vmem>>, vector<16xi32>,
      %swap3A_147 = vector.shape_cast %swap3A_146 : vector<16xi32> to vector<16xi32>
      %swap3A_148 = vector.shape_cast %shift_right_arithmetic3A_144 : vector<16xi32> to vector<16xi32>
      tpu.vector_store %arg10[%swap3A_145], %swap3A_148 {strides = array<i32>} : memref<80xi32, #tpu.memory_space<vmem>>, vector<16xi32>,
      %get3A_149 = arith.index_cast %scan3A_112 : i32 to index
      %get3A_150 = arith.constant 32 : index
      %get3A_151 = tpu.vector_load %arg8[%get3A_149, %get3A_150] {strides = array<i32>} : memref<125x80xi32, #tpu.memory_space<vmem>>, vector<1x16xi32>,
      %get3A_152 = vector.shape_cast %get3A_151 : vector<1x16xi32> to vector<16xi32>
      %and3A_153 = arith.constant 65535 : i32
      %and3A_154 = vector.broadcast %and3A_153 : i32 to vector<16xi32>
      %and3A_155 = arith.andi %get3A_152, %and3A_154 : vector<16xi32>
      %swap3A_156 = arith.constant 32 : index
      %swap3A_157 = tpu.vector_load %arg9[%swap3A_156] {strides = array<i32>} : memref<80xi32, #tpu.memory_space<vmem>>, vector<16xi32>,
      %swap3A_158 = vector.shape_cast %swap3A_157 : vector<16xi32> to vector<16xi32>
      %swap3A_159 = vector.shape_cast %and3A_155 : vector<16xi32> to vector<16xi32>
      tpu.vector_store %arg9[%swap3A_156], %swap3A_159 {strides = array<i32>} : memref<80xi32, #tpu.memory_space<vmem>>, vector<16xi32>,
      %shift_right_arithmetic3A_160 = arith.constant 16 : i32
      %shift_right_arithmetic3A_161 = vector.broadcast %shift_right_arithmetic3A_160 : i32 to vector<16xi32>
      %shift_right_arithmetic3A_162 = arith.shrsi %get3A_152, %shift_right_arithmetic3A_161 : vector<16xi32>
      %swap3A_163 = arith.constant 32 : index
      %swap3A_164 = tpu.vector_load %arg10[%swap3A_163] {strides = array<i32>} : memref<80xi32, #tpu.memory_space<vmem>>, vector<16xi32>,
      %swap3A_165 = vector.shape_cast %swap3A_164 : vector<16xi32> to vector<16xi32>
      %swap3A_166 = vector.shape_cast %shift_right_arithmetic3A_162 : vector<16xi32> to vector<16xi32>
      tpu.vector_store %arg10[%swap3A_163], %swap3A_166 {strides = array<i32>} : memref<80xi32, #tpu.memory_space<vmem>>, vector<16xi32>,
      %get3A_167 = arith.index_cast %scan3A_112 : i32 to index
      %get3A_168 = arith.constant 48 : index
      %get3A_169 = tpu.vector_load %arg8[%get3A_167, %get3A_168] {strides = array<i32>} : memref<125x80xi32, #tpu.memory_space<vmem>>, vector<1x16xi32>,
      %get3A_170 = vector.shape_cast %get3A_169 : vector<1x16xi32> to vector<16xi32>
      %and3A_171 = arith.constant 65535 : i32
      %and3A_172 = vector.broadcast %and3A_171 : i32 to vector<16xi32>
      %and3A_173 = arith.andi %get3A_170, %and3A_172 : vector<16xi32>
      %swap3A_174 = arith.constant 48 : index
      %swap3A_175 = tpu.vector_load %arg9[%swap3A_174] {strides = array<i32>} : memref<80xi32, #tpu.memory_space<vmem>>, vector<16xi32>,
      %swap3A_176 = vector.shape_cast %swap3A_175 : vector<16xi32> to vector<16xi32>
      %swap3A_177 = vector.shape_cast %and3A_173 : vector<16xi32> to vector<16xi32>
      tpu.vector_store %arg9[%swap3A_174], %swap3A_177 {strides = array<i32>} : memref<80xi32, #tpu.memory_space<vmem>>, vector<16xi32>,
      %shift_right_arithmetic3A_178 = arith.constant 16 : i32
      %shift_right_arithmetic3A_179 = vector.broadcast %shift_right_arithmetic3A_178 : i32 to vector<16xi32>
      %shift_right_arithmetic3A_180 = arith.shrsi %get3A_170, %shift_right_arithmetic3A_179 : vector<16xi32>
      %swap3A_181 = arith.constant 48 : index
      %swap3A_182 = tpu.vector_load %arg10[%swap3A_181] {strides = array<i32>} : memref<80xi32, #tpu.memory_space<vmem>>, vector<16xi32>,
      %swap3A_183 = vector.shape_cast %swap3A_182 : vector<16xi32> to vector<16xi32>
      %swap3A_184 = vector.shape_cast %shift_right_arithmetic3A_180 : vector<16xi32> to vector<16xi32>
      tpu.vector_store %arg10[%swap3A_181], %swap3A_184 {strides = array<i32>} : memref<80xi32, #tpu.memory_space<vmem>>, vector<16xi32>,
      %get3A_185 = arith.index_cast %scan3A_112 : i32 to index
      %get3A_186 = arith.constant 64 : index
      %get3A_187 = tpu.vector_load %arg8[%get3A_185, %get3A_186] {strides = array<i32>} : memref<125x80xi32, #tpu.memory_space<vmem>>, vector<1x16xi32>,
      %get3A_188 = vector.shape_cast %get3A_187 : vector<1x16xi32> to vector<16xi32>
      %and3A_189 = arith.constant 65535 : i32
      %and3A_190 = vector.broadcast %and3A_189 : i32 to vector<16xi32>
      %and3A_191 = arith.andi %get3A_188, %and3A_190 : vector<16xi32>
      %swap3A_192 = arith.constant 64 : index
      %swap3A_193 = tpu.vector_load %arg9[%swap3A_192] {strides = array<i32>} : memref<80xi32, #tpu.memory_space<vmem>>, vector<16xi32>,
      %swap3A_194 = vector.shape_cast %swap3A_193 : vector<16xi32> to vector<16xi32>
      %swap3A_195 = vector.shape_cast %and3A_191 : vector<16xi32> to vector<16xi32>
      tpu.vector_store %arg9[%swap3A_192], %swap3A_195 {strides = array<i32>} : memref<80xi32, #tpu.memory_space<vmem>>, vector<16xi32>,
      %shift_right_arithmetic3A_196 = arith.constant 16 : i32
      %shift_right_arithmetic3A_197 = vector.broadcast %shift_right_arithmetic3A_196 : i32 to vector<16xi32>
      %shift_right_arithmetic3A_198 = arith.shrsi %get3A_188, %shift_right_arithmetic3A_197 : vector<16xi32>
      %swap3A_199 = arith.constant 64 : index
      %swap3A_200 = tpu.vector_load %arg10[%swap3A_199] {strides = array<i32>} : memref<80xi32, #tpu.memory_space<vmem>>, vector<16xi32>,
      %swap3A_201 = vector.shape_cast %swap3A_200 : vector<16xi32> to vector<16xi32>
      %swap3A_202 = vector.shape_cast %shift_right_arithmetic3A_198 : vector<16xi32> to vector<16xi32>
      tpu.vector_store %arg10[%swap3A_199], %swap3A_202 {strides = array<i32>} : memref<80xi32, #tpu.memory_space<vmem>>, vector<16xi32>,
      "tpu.region"() ({
        %run_scoped3A = tpu.sem_alloc : memref<!tpu.dma_semaphore, #tpu.memory_space<semaphore_mem>>
        %dma_start3A_203 = arith.constant 0 : i32
        %dma_start3A_204 = arith.constant 0 : i32
        %dma_start3A_205 = tpu.memref_slice %arg15[%dma_start3A_203, %dma_start3A_204] : memref<10112x128xf32, #tpu.memory_space<vmem_shared>> -> memref<10112x128xf32, #tpu.memory_space<vmem_shared>>
        tpu.enqueue_indirect_dma source(%arg13 : memref<80x128xf32, #tpu.memory_space<vmem>>) target(%dma_start3A_205 : memref<10112x128xf32, #tpu.memory_space<vmem_shared>>) offsets(%arg10 : memref<80xi32, #tpu.memory_space<vmem>>) semaphore(%run_scoped3A : memref<!tpu.dma_semaphore, #tpu.memory_space<semaphore_mem>>) {add = true}
        %dma_wait3A_206 = arith.constant 0 : i32
        %dma_wait3A_207 = arith.constant 0 : i32
        %dma_wait3A_208 = tpu.memref_slice %arg15[%dma_wait3A_206, %dma_wait3A_207] : memref<10112x128xf32, #tpu.memory_space<vmem_shared>> -> memref<10112x128xf32, #tpu.memory_space<vmem_shared>>
        tpu.wait_indirect_dma semaphore(%run_scoped3A : memref<!tpu.dma_semaphore, #tpu.memory_space<semaphore_mem>>) src(%arg13 : memref<80x128xf32, #tpu.memory_space<vmem>>) dst(%dma_wait3A_208 : memref<10112x128xf32, #tpu.memory_space<vmem_shared>>)
        tpu.yield
      }) : () -> ()
    }
    %scan3A_7 = arith.constant 125 : i32
    %barrier3A_8 = arith.constant 0 : index
    tpu.barrier barrier_id(%barrier3A_8)
    "tpu.region"() ({
      %run_scoped3A = tpu.sem_alloc : memref<!tpu.dma_semaphore, #tpu.memory_space<semaphore_mem>>
      %dma_start3A_112 = arith.constant 0 : i32
      %dma_start3A_113 = tpu.memref_slice %arg7[%arg0, %mul3A_2, %dma_start3A_112] : memref<2x10112x128xf32, #tpu.memory_space<hbm>> -> memref<1x632x128xf32, #tpu.memory_space<hbm>>
      %dma_start3A_114 = tpu.memref_squeeze %dma_start3A_113 : memref<1x632x128xf32, #tpu.memory_space<hbm>> -> memref<632x128xf32, #tpu.memory_space<hbm>>
      %dma_start3A_115 = arith.constant 0 : i32
      %dma_start3A_116 = tpu.memref_slice %arg15[%mul3A_2, %dma_start3A_115] : memref<10112x128xf32, #tpu.memory_space<vmem_shared>> -> memref<632x128xf32, #tpu.memory_space<vmem_shared>>
      tpu.enqueue_dma source(%dma_start3A_116 : memref<632x128xf32, #tpu.memory_space<vmem_shared>>) target(%dma_start3A_114 : memref<632x128xf32, #tpu.memory_space<hbm>>) target_semaphore(%run_scoped3A : memref<!tpu.dma_semaphore, #tpu.memory_space<semaphore_mem>>)
      %dma_wait3A_117 = arith.constant 0 : i32
      %dma_wait3A_118 = tpu.memref_slice %arg7[%arg0, %mul3A_2, %dma_wait3A_117] : memref<2x10112x128xf32, #tpu.memory_space<hbm>> -> memref<1x632x128xf32, #tpu.memory_space<hbm>>
      %dma_wait3A_119 = tpu.memref_squeeze %dma_wait3A_118 : memref<1x632x128xf32, #tpu.memory_space<hbm>> -> memref<632x128xf32, #tpu.memory_space<hbm>>
      %dma_wait3A_120 = arith.constant 0 : i32
      %dma_wait3A_121 = tpu.memref_slice %arg15[%mul3A_2, %dma_wait3A_120] : memref<10112x128xf32, #tpu.memory_space<vmem_shared>> -> memref<632x128xf32, #tpu.memory_space<vmem_shared>>
      tpu.wait_dma2 semaphore(%run_scoped3A : memref<!tpu.dma_semaphore, #tpu.memory_space<semaphore_mem>>) src(%dma_wait3A_121 : memref<632x128xf32, #tpu.memory_space<vmem_shared>>) dst(%dma_wait3A_119 : memref<632x128xf32, #tpu.memory_space<hbm>>)
      tpu.yield
    }) : () -> ()
    "tpu.region"() ({
      %run_scoped3A = tpu.sem_alloc : memref<!tpu.dma_semaphore, #tpu.memory_space<semaphore_mem>>
      %dma_start3A_112 = arith.constant 0 : i32
      %dma_start3A_113 = tpu.memref_slice %arg15[%mul3A_2, %dma_start3A_112] : memref<10112x128xf32, #tpu.memory_space<vmem_shared>> -> memref<632x128xf32, #tpu.memory_space<vmem_shared>>
      %dma_start3A_114 = arith.constant 0 : i32
      %dma_start3A_115 = tpu.memref_slice %arg4[%mul3A_2, %dma_start3A_114] : memref<10112x128xf32, #tpu.memory_space<hbm>> -> memref<632x128xf32, #tpu.memory_space<hbm>>
      tpu.enqueue_dma source(%dma_start3A_115 : memref<632x128xf32, #tpu.memory_space<hbm>>) target(%dma_start3A_113 : memref<632x128xf32, #tpu.memory_space<vmem_shared>>) target_semaphore(%run_scoped3A : memref<!tpu.dma_semaphore, #tpu.memory_space<semaphore_mem>>)
      %dma_wait3A_116 = arith.constant 0 : i32
      %dma_wait3A_117 = tpu.memref_slice %arg15[%mul3A_2, %dma_wait3A_116] : memref<10112x128xf32, #tpu.memory_space<vmem_shared>> -> memref<632x128xf32, #tpu.memory_space<vmem_shared>>
      %dma_wait3A_118 = arith.constant 0 : i32
      %dma_wait3A_119 = tpu.memref_slice %arg4[%mul3A_2, %dma_wait3A_118] : memref<10112x128xf32, #tpu.memory_space<hbm>> -> memref<632x128xf32, #tpu.memory_space<hbm>>
      tpu.wait_dma2 semaphore(%run_scoped3A : memref<!tpu.dma_semaphore, #tpu.memory_space<semaphore_mem>>) src(%dma_wait3A_119 : memref<632x128xf32, #tpu.memory_space<hbm>>) dst(%dma_wait3A_117 : memref<632x128xf32, #tpu.memory_space<vmem_shared>>)
      tpu.yield
    }) : () -> ()
    %barrier3A_9 = arith.constant 0 : index
    tpu.barrier barrier_id(%barrier3A_9)
    %get3A = arith.constant 0 : i32
    %get3A_10 = arith.index_cast %get3A : i32 to index
    %get3A_11 = arith.constant 0 : index
    %get3A_12 = tpu.vector_load %arg8[%get3A_10, %get3A_11] {strides = array<i32>} : memref<125x80xi32, #tpu.memory_space<vmem>>, vector<1x16xi32>,
    %get3A_13 = vector.shape_cast %get3A_12 : vector<1x16xi32> to vector<16xi32>
    %and3A = arith.constant 65535 : i32
    %and3A_14 = vector.broadcast %and3A : i32 to vector<16xi32>
    %and3A_15 = arith.andi %get3A_13, %and3A_14 : vector<16xi32>
    %swap3A = arith.constant 0 : index
    %swap3A_16 = tpu.vector_load %arg9[%swap3A] {strides = array<i32>} : memref<80xi32, #tpu.memory_space<vmem>>, vector<16xi32>,
    %swap3A_17 = vector.shape_cast %swap3A_16 : vector<16xi32> to vector<16xi32>
    %swap3A_18 = vector.shape_cast %and3A_15 : vector<16xi32> to vector<16xi32>
    tpu.vector_store %arg9[%swap3A], %swap3A_18 {strides = array<i32>} : memref<80xi32, #tpu.memory_space<vmem>>, vector<16xi32>,
    %shift_right_arithmetic3A = arith.constant 16 : i32
    %shift_right_arithmetic3A_19 = vector.broadcast %shift_right_arithmetic3A : i32 to vector<16xi32>
    %shift_right_arithmetic3A_20 = arith.shrsi %get3A_13, %shift_right_arithmetic3A_19 : vector<16xi32>
    %swap3A_21 = arith.constant 0 : index
    %swap3A_22 = tpu.vector_load %arg10[%swap3A_21] {strides = array<i32>} : memref<80xi32, #tpu.memory_space<vmem>>, vector<16xi32>,
    %swap3A_23 = vector.shape_cast %swap3A_22 : vector<16xi32> to vector<16xi32>
    %swap3A_24 = vector.shape_cast %shift_right_arithmetic3A_20 : vector<16xi32> to vector<16xi32>
    tpu.vector_store %arg10[%swap3A_21], %swap3A_24 {strides = array<i32>} : memref<80xi32, #tpu.memory_space<vmem>>, vector<16xi32>,
    %get3A_25 = arith.constant 0 : i32
    %get3A_26 = arith.index_cast %get3A_25 : i32 to index
    %get3A_27 = arith.constant 16 : index
    %get3A_28 = tpu.vector_load %arg8[%get3A_26, %get3A_27] {strides = array<i32>} : memref<125x80xi32, #tpu.memory_space<vmem>>, vector<1x16xi32>,
    %get3A_29 = vector.shape_cast %get3A_28 : vector<1x16xi32> to vector<16xi32>
    %and3A_30 = arith.constant 65535 : i32
    %and3A_31 = vector.broadcast %and3A_30 : i32 to vector<16xi32>
    %and3A_32 = arith.andi %get3A_29, %and3A_31 : vector<16xi32>
    %swap3A_33 = arith.constant 16 : index
    %swap3A_34 = tpu.vector_load %arg9[%swap3A_33] {strides = array<i32>} : memref<80xi32, #tpu.memory_space<vmem>>, vector<16xi32>,
    %swap3A_35 = vector.shape_cast %swap3A_34 : vector<16xi32> to vector<16xi32>
    %swap3A_36 = vector.shape_cast %and3A_32 : vector<16xi32> to vector<16xi32>
    tpu.vector_store %arg9[%swap3A_33], %swap3A_36 {strides = array<i32>} : memref<80xi32, #tpu.memory_space<vmem>>, vector<16xi32>,
    %shift_right_arithmetic3A_37 = arith.constant 16 : i32
    %shift_right_arithmetic3A_38 = vector.broadcast %shift_right_arithmetic3A_37 : i32 to vector<16xi32>
    %shift_right_arithmetic3A_39 = arith.shrsi %get3A_29, %shift_right_arithmetic3A_38 : vector<16xi32>
    %swap3A_40 = arith.constant 16 : index
    %swap3A_41 = tpu.vector_load %arg10[%swap3A_40] {strides = array<i32>} : memref<80xi32, #tpu.memory_space<vmem>>, vector<16xi32>,
    %swap3A_42 = vector.shape_cast %swap3A_41 : vector<16xi32> to vector<16xi32>
    %swap3A_43 = vector.shape_cast %shift_right_arithmetic3A_39 : vector<16xi32> to vector<16xi32>
    tpu.vector_store %arg10[%swap3A_40], %swap3A_43 {strides = array<i32>} : memref<80xi32, #tpu.memory_space<vmem>>, vector<16xi32>,
    %get3A_44 = arith.constant 0 : i32
    %get3A_45 = arith.index_cast %get3A_44 : i32 to index
    %get3A_46 = arith.constant 32 : index
    %get3A_47 = tpu.vector_load %arg8[%get3A_45, %get3A_46] {strides = array<i32>} : memref<125x80xi32, #tpu.memory_space<vmem>>, vector<1x16xi32>,
    %get3A_48 = vector.shape_cast %get3A_47 : vector<1x16xi32> to vector<16xi32>
    %and3A_49 = arith.constant 65535 : i32
    %and3A_50 = vector.broadcast %and3A_49 : i32 to vector<16xi32>
    %and3A_51 = arith.andi %get3A_48, %and3A_50 : vector<16xi32>
    %swap3A_52 = arith.constant 32 : index
    %swap3A_53 = tpu.vector_load %arg9[%swap3A_52] {strides = array<i32>} : memref<80xi32, #tpu.memory_space<vmem>>, vector<16xi32>,
    %swap3A_54 = vector.shape_cast %swap3A_53 : vector<16xi32> to vector<16xi32>
    %swap3A_55 = vector.shape_cast %and3A_51 : vector<16xi32> to vector<16xi32>
    tpu.vector_store %arg9[%swap3A_52], %swap3A_55 {strides = array<i32>} : memref<80xi32, #tpu.memory_space<vmem>>, vector<16xi32>,
    %shift_right_arithmetic3A_56 = arith.constant 16 : i32
    %shift_right_arithmetic3A_57 = vector.broadcast %shift_right_arithmetic3A_56 : i32 to vector<16xi32>
    %shift_right_arithmetic3A_58 = arith.shrsi %get3A_48, %shift_right_arithmetic3A_57 : vector<16xi32>
    %swap3A_59 = arith.constant 32 : index
    %swap3A_60 = tpu.vector_load %arg10[%swap3A_59] {strides = array<i32>} : memref<80xi32, #tpu.memory_space<vmem>>, vector<16xi32>,
    %swap3A_61 = vector.shape_cast %swap3A_60 : vector<16xi32> to vector<16xi32>
    %swap3A_62 = vector.shape_cast %shift_right_arithmetic3A_58 : vector<16xi32> to vector<16xi32>
    tpu.vector_store %arg10[%swap3A_59], %swap3A_62 {strides = array<i32>} : memref<80xi32, #tpu.memory_space<vmem>>, vector<16xi32>,
    %get3A_63 = arith.constant 0 : i32
    %get3A_64 = arith.index_cast %get3A_63 : i32 to index
    %get3A_65 = arith.constant 48 : index
    %get3A_66 = tpu.vector_load %arg8[%get3A_64, %get3A_65] {strides = array<i32>} : memref<125x80xi32, #tpu.memory_space<vmem>>, vector<1x16xi32>,
    %get3A_67 = vector.shape_cast %get3A_66 : vector<1x16xi32> to vector<16xi32>
    %and3A_68 = arith.constant 65535 : i32
    %and3A_69 = vector.broadcast %and3A_68 : i32 to vector<16xi32>
    %and3A_70 = arith.andi %get3A_67, %and3A_69 : vector<16xi32>
    %swap3A_71 = arith.constant 48 : index
    %swap3A_72 = tpu.vector_load %arg9[%swap3A_71] {strides = array<i32>} : memref<80xi32, #tpu.memory_space<vmem>>, vector<16xi32>,
    %swap3A_73 = vector.shape_cast %swap3A_72 : vector<16xi32> to vector<16xi32>
    %swap3A_74 = vector.shape_cast %and3A_70 : vector<16xi32> to vector<16xi32>
    tpu.vector_store %arg9[%swap3A_71], %swap3A_74 {strides = array<i32>} : memref<80xi32, #tpu.memory_space<vmem>>, vector<16xi32>,
    %shift_right_arithmetic3A_75 = arith.constant 16 : i32
    %shift_right_arithmetic3A_76 = vector.broadcast %shift_right_arithmetic3A_75 : i32 to vector<16xi32>
    %shift_right_arithmetic3A_77 = arith.shrsi %get3A_67, %shift_right_arithmetic3A_76 : vector<16xi32>
    %swap3A_78 = arith.constant 48 : index
    %swap3A_79 = tpu.vector_load %arg10[%swap3A_78] {strides = array<i32>} : memref<80xi32, #tpu.memory_space<vmem>>, vector<16xi32>,
    %swap3A_80 = vector.shape_cast %swap3A_79 : vector<16xi32> to vector<16xi32>
    %swap3A_81 = vector.shape_cast %shift_right_arithmetic3A_77 : vector<16xi32> to vector<16xi32>
    tpu.vector_store %arg10[%swap3A_78], %swap3A_81 {strides = array<i32>} : memref<80xi32, #tpu.memory_space<vmem>>, vector<16xi32>,
    %get3A_82 = arith.constant 0 : i32
    %get3A_83 = arith.index_cast %get3A_82 : i32 to index
    %get3A_84 = arith.constant 64 : index
    %get3A_85 = tpu.vector_load %arg8[%get3A_83, %get3A_84] {strides = array<i32>} : memref<125x80xi32, #tpu.memory_space<vmem>>, vector<1x16xi32>,
    %get3A_86 = vector.shape_cast %get3A_85 : vector<1x16xi32> to vector<16xi32>
    %and3A_87 = arith.constant 65535 : i32
    %and3A_88 = vector.broadcast %and3A_87 : i32 to vector<16xi32>
    %and3A_89 = arith.andi %get3A_86, %and3A_88 : vector<16xi32>
    %swap3A_90 = arith.constant 64 : index
    %swap3A_91 = tpu.vector_load %arg9[%swap3A_90] {strides = array<i32>} : memref<80xi32, #tpu.memory_space<vmem>>, vector<16xi32>,
    %swap3A_92 = vector.shape_cast %swap3A_91 : vector<16xi32> to vector<16xi32>
    %swap3A_93 = vector.shape_cast %and3A_89 : vector<16xi32> to vector<16xi32>
    tpu.vector_store %arg9[%swap3A_90], %swap3A_93 {strides = array<i32>} : memref<80xi32, #tpu.memory_space<vmem>>, vector<16xi32>,
    %shift_right_arithmetic3A_94 = arith.constant 16 : i32
    %shift_right_arithmetic3A_95 = vector.broadcast %shift_right_arithmetic3A_94 : i32 to vector<16xi32>
    %shift_right_arithmetic3A_96 = arith.shrsi %get3A_86, %shift_right_arithmetic3A_95 : vector<16xi32>
    %swap3A_97 = arith.constant 64 : index
    %swap3A_98 = tpu.vector_load %arg10[%swap3A_97] {strides = array<i32>} : memref<80xi32, #tpu.memory_space<vmem>>, vector<16xi32>,
    %swap3A_99 = vector.shape_cast %swap3A_98 : vector<16xi32> to vector<16xi32>
    %swap3A_100 = vector.shape_cast %shift_right_arithmetic3A_96 : vector<16xi32> to vector<16xi32>
    tpu.vector_store %arg10[%swap3A_97], %swap3A_100 {strides = array<i32>} : memref<80xi32, #tpu.memory_space<vmem>>, vector<16xi32>,
    %dma_start3A = arith.constant 0 : i32
    %dma_start3A_101 = arith.constant 0 : i32
    %dma_start3A_102 = tpu.memref_slice %arg2[%dma_start3A, %dma_start3A_101] : memref<10000x128xf32, #tpu.memory_space<hbm>> -> memref<10000x128xf32, #tpu.memory_space<hbm>>
    tpu.enqueue_indirect_dma source(%dma_start3A_102 : memref<10000x128xf32, #tpu.memory_space<hbm>>) target(%arg13 : memref<80x128xf32, #tpu.memory_space<vmem>>) offsets(%arg9 : memref<80xi32, #tpu.memory_space<vmem>>) semaphore(%arg16 : memref<!tpu.dma_semaphore, #tpu.memory_space<semaphore_mem>>)
    %scan3A_103 = arith.constant 0 : i32
    %scan3A_104 = arith.constant 0 : i32
    %scan3A_105 = arith.constant 62 : i32
    %scan3A_106 = arith.addi %scan3A_104, %scan3A_105 : i32
    %scan3A_107 = arith.constant 1 : i32
    scf.for %scan3A_112 = %scan3A_104 to %scan3A_106 step %scan3A_107  : i32 {
      %mul3A_113 = arith.constant 2 : i32
      %mul3A_114 = arith.muli %mul3A_113, %scan3A_112 : i32
      %add3A_115 = arith.constant 1 : i32
      %add3A_116 = arith.addi %mul3A_114, %add3A_115 : i32
      %get3A_117 = arith.index_cast %add3A_116 : i32 to index
      %get3A_118 = arith.constant 0 : index
      %get3A_119 = tpu.vector_load %arg8[%get3A_117, %get3A_118] {strides = array<i32>} : memref<125x80xi32, #tpu.memory_space<vmem>>, vector<1x16xi32>,
      %get3A_120 = vector.shape_cast %get3A_119 : vector<1x16xi32> to vector<16xi32>
      %and3A_121 = arith.constant 65535 : i32
      %and3A_122 = vector.broadcast %and3A_121 : i32 to vector<16xi32>
      %and3A_123 = arith.andi %get3A_120, %and3A_122 : vector<16xi32>
      %swap3A_124 = arith.constant 0 : index
      %swap3A_125 = tpu.vector_load %arg11[%swap3A_124] {strides = array<i32>} : memref<80xi32, #tpu.memory_space<vmem>>, vector<16xi32>,
      %swap3A_126 = vector.shape_cast %swap3A_125 : vector<16xi32> to vector<16xi32>
      %swap3A_127 = vector.shape_cast %and3A_123 : vector<16xi32> to vector<16xi32>
      tpu.vector_store %arg11[%swap3A_124], %swap3A_127 {strides = array<i32>} : memref<80xi32, #tpu.memory_space<vmem>>, vector<16xi32>,
      %shift_right_arithmetic3A_128 = arith.constant 16 : i32
      %shift_right_arithmetic3A_129 = vector.broadcast %shift_right_arithmetic3A_128 : i32 to vector<16xi32>
      %shift_right_arithmetic3A_130 = arith.shrsi %get3A_120, %shift_right_arithmetic3A_129 : vector<16xi32>
      %swap3A_131 = arith.constant 0 : index
      %swap3A_132 = tpu.vector_load %arg12[%swap3A_131] {strides = array<i32>} : memref<80xi32, #tpu.memory_space<vmem>>, vector<16xi32>,
      %swap3A_133 = vector.shape_cast %swap3A_132 : vector<16xi32> to vector<16xi32>
      %swap3A_134 = vector.shape_cast %shift_right_arithmetic3A_130 : vector<16xi32> to vector<16xi32>
      tpu.vector_store %arg12[%swap3A_131], %swap3A_134 {strides = array<i32>} : memref<80xi32, #tpu.memory_space<vmem>>, vector<16xi32>,
      %get3A_135 = arith.index_cast %add3A_116 : i32 to index
      %get3A_136 = arith.constant 16 : index
      %get3A_137 = tpu.vector_load %arg8[%get3A_135, %get3A_136] {strides = array<i32>} : memref<125x80xi32, #tpu.memory_space<vmem>>, vector<1x16xi32>,
      %get3A_138 = vector.shape_cast %get3A_137 : vector<1x16xi32> to vector<16xi32>
      %and3A_139 = arith.constant 65535 : i32
      %and3A_140 = vector.broadcast %and3A_139 : i32 to vector<16xi32>
      %and3A_141 = arith.andi %get3A_138, %and3A_140 : vector<16xi32>
      %swap3A_142 = arith.constant 16 : index
      %swap3A_143 = tpu.vector_load %arg11[%swap3A_142] {strides = array<i32>} : memref<80xi32, #tpu.memory_space<vmem>>, vector<16xi32>,
      %swap3A_144 = vector.shape_cast %swap3A_143 : vector<16xi32> to vector<16xi32>
      %swap3A_145 = vector.shape_cast %and3A_141 : vector<16xi32> to vector<16xi32>
      tpu.vector_store %arg11[%swap3A_142], %swap3A_145 {strides = array<i32>} : memref<80xi32, #tpu.memory_space<vmem>>, vector<16xi32>,
      %shift_right_arithmetic3A_146 = arith.constant 16 : i32
      %shift_right_arithmetic3A_147 = vector.broadcast %shift_right_arithmetic3A_146 : i32 to vector<16xi32>
      %shift_right_arithmetic3A_148 = arith.shrsi %get3A_138, %shift_right_arithmetic3A_147 : vector<16xi32>
      %swap3A_149 = arith.constant 16 : index
      %swap3A_150 = tpu.vector_load %arg12[%swap3A_149] {strides = array<i32>} : memref<80xi32, #tpu.memory_space<vmem>>, vector<16xi32>,
      %swap3A_151 = vector.shape_cast %swap3A_150 : vector<16xi32> to vector<16xi32>
      %swap3A_152 = vector.shape_cast %shift_right_arithmetic3A_148 : vector<16xi32> to vector<16xi32>
      tpu.vector_store %arg12[%swap3A_149], %swap3A_152 {strides = array<i32>} : memref<80xi32, #tpu.memory_space<vmem>>, vector<16xi32>,
      %get3A_153 = arith.index_cast %add3A_116 : i32 to index
      %get3A_154 = arith.constant 32 : index
      %get3A_155 = tpu.vector_load %arg8[%get3A_153, %get3A_154] {strides = array<i32>} : memref<125x80xi32, #tpu.memory_space<vmem>>, vector<1x16xi32>,
      %get3A_156 = vector.shape_cast %get3A_155 : vector<1x16xi32> to vector<16xi32>
      %and3A_157 = arith.constant 65535 : i32
      %and3A_158 = vector.broadcast %and3A_157 : i32 to vector<16xi32>
      %and3A_159 = arith.andi %get3A_156, %and3A_158 : vector<16xi32>
      %swap3A_160 = arith.constant 32 : index
      %swap3A_161 = tpu.vector_load %arg11[%swap3A_160] {strides = array<i32>} : memref<80xi32, #tpu.memory_space<vmem>>, vector<16xi32>,
      %swap3A_162 = vector.shape_cast %swap3A_161 : vector<16xi32> to vector<16xi32>
      %swap3A_163 = vector.shape_cast %and3A_159 : vector<16xi32> to vector<16xi32>
      tpu.vector_store %arg11[%swap3A_160], %swap3A_163 {strides = array<i32>} : memref<80xi32, #tpu.memory_space<vmem>>, vector<16xi32>,
      %shift_right_arithmetic3A_164 = arith.constant 16 : i32
      %shift_right_arithmetic3A_165 = vector.broadcast %shift_right_arithmetic3A_164 : i32 to vector<16xi32>
      %shift_right_arithmetic3A_166 = arith.shrsi %get3A_156, %shift_right_arithmetic3A_165 : vector<16xi32>
      %swap3A_167 = arith.constant 32 : index
      %swap3A_168 = tpu.vector_load %arg12[%swap3A_167] {strides = array<i32>} : memref<80xi32, #tpu.memory_space<vmem>>, vector<16xi32>,
      %swap3A_169 = vector.shape_cast %swap3A_168 : vector<16xi32> to vector<16xi32>
      %swap3A_170 = vector.shape_cast %shift_right_arithmetic3A_166 : vector<16xi32> to vector<16xi32>
      tpu.vector_store %arg12[%swap3A_167], %swap3A_170 {strides = array<i32>} : memref<80xi32, #tpu.memory_space<vmem>>, vector<16xi32>,
      %get3A_171 = arith.index_cast %add3A_116 : i32 to index
      %get3A_172 = arith.constant 48 : index
      %get3A_173 = tpu.vector_load %arg8[%get3A_171, %get3A_172] {strides = array<i32>} : memref<125x80xi32, #tpu.memory_space<vmem>>, vector<1x16xi32>,
      %get3A_174 = vector.shape_cast %get3A_173 : vector<1x16xi32> to vector<16xi32>
      %and3A_175 = arith.constant 65535 : i32
      %and3A_176 = vector.broadcast %and3A_175 : i32 to vector<16xi32>
      %and3A_177 = arith.andi %get3A_174, %and3A_176 : vector<16xi32>
      %swap3A_178 = arith.constant 48 : index
      %swap3A_179 = tpu.vector_load %arg11[%swap3A_178] {strides = array<i32>} : memref<80xi32, #tpu.memory_space<vmem>>, vector<16xi32>,
      %swap3A_180 = vector.shape_cast %swap3A_179 : vector<16xi32> to vector<16xi32>
      %swap3A_181 = vector.shape_cast %and3A_177 : vector<16xi32> to vector<16xi32>
      tpu.vector_store %arg11[%swap3A_178], %swap3A_181 {strides = array<i32>} : memref<80xi32, #tpu.memory_space<vmem>>, vector<16xi32>,
      %shift_right_arithmetic3A_182 = arith.constant 16 : i32
      %shift_right_arithmetic3A_183 = vector.broadcast %shift_right_arithmetic3A_182 : i32 to vector<16xi32>
      %shift_right_arithmetic3A_184 = arith.shrsi %get3A_174, %shift_right_arithmetic3A_183 : vector<16xi32>
      %swap3A_185 = arith.constant 48 : index
      %swap3A_186 = tpu.vector_load %arg12[%swap3A_185] {strides = array<i32>} : memref<80xi32, #tpu.memory_space<vmem>>, vector<16xi32>,
      %swap3A_187 = vector.shape_cast %swap3A_186 : vector<16xi32> to vector<16xi32>
      %swap3A_188 = vector.shape_cast %shift_right_arithmetic3A_184 : vector<16xi32> to vector<16xi32>
      tpu.vector_store %arg12[%swap3A_185], %swap3A_188 {strides = array<i32>} : memref<80xi32, #tpu.memory_space<vmem>>, vector<16xi32>,
      %get3A_189 = arith.index_cast %add3A_116 : i32 to index
      %get3A_190 = arith.constant 64 : index
      %get3A_191 = tpu.vector_load %arg8[%get3A_189, %get3A_190] {strides = array<i32>} : memref<125x80xi32, #tpu.memory_space<vmem>>, vector<1x16xi32>,
      %get3A_192 = vector.shape_cast %get3A_191 : vector<1x16xi32> to vector<16xi32>
      %and3A_193 = arith.constant 65535 : i32
      %and3A_194 = vector.broadcast %and3A_193 : i32 to vector<16xi32>
      %and3A_195 = arith.andi %get3A_192, %and3A_194 : vector<16xi32>
      %swap3A_196 = arith.constant 64 : index
      %swap3A_197 = tpu.vector_load %arg11[%swap3A_196] {strides = array<i32>} : memref<80xi32, #tpu.memory_space<vmem>>, vector<16xi32>,
      %swap3A_198 = vector.shape_cast %swap3A_197 : vector<16xi32> to vector<16xi32>
      %swap3A_199 = vector.shape_cast %and3A_195 : vector<16xi32> to vector<16xi32>
      tpu.vector_store %arg11[%swap3A_196], %swap3A_199 {strides = array<i32>} : memref<80xi32, #tpu.memory_space<vmem>>, vector<16xi32>,
      %shift_right_arithmetic3A_200 = arith.constant 16 : i32
      %shift_right_arithmetic3A_201 = vector.broadcast %shift_right_arithmetic3A_200 : i32 to vector<16xi32>
      %shift_right_arithmetic3A_202 = arith.shrsi %get3A_192, %shift_right_arithmetic3A_201 : vector<16xi32>
      %swap3A_203 = arith.constant 64 : index
      %swap3A_204 = tpu.vector_load %arg12[%swap3A_203] {strides = array<i32>} : memref<80xi32, #tpu.memory_space<vmem>>, vector<16xi32>,
      %swap3A_205 = vector.shape_cast %swap3A_204 : vector<16xi32> to vector<16xi32>
      %swap3A_206 = vector.shape_cast %shift_right_arithmetic3A_202 : vector<16xi32> to vector<16xi32>
      tpu.vector_store %arg12[%swap3A_203], %swap3A_206 {strides = array<i32>} : memref<80xi32, #tpu.memory_space<vmem>>, vector<16xi32>,
      %dma_start3A_207 = arith.constant 0 : i32
      %dma_start3A_208 = arith.constant 0 : i32
      %dma_start3A_209 = tpu.memref_slice %arg2[%dma_start3A_207, %dma_start3A_208] : memref<10000x128xf32, #tpu.memory_space<hbm>> -> memref<10000x128xf32, #tpu.memory_space<hbm>>
      tpu.enqueue_indirect_dma source(%dma_start3A_209 : memref<10000x128xf32, #tpu.memory_space<hbm>>) target(%arg14 : memref<80x128xf32, #tpu.memory_space<vmem>>) offsets(%arg11 : memref<80xi32, #tpu.memory_space<vmem>>) semaphore(%arg17 : memref<!tpu.dma_semaphore, #tpu.memory_space<semaphore_mem>>)
      %dma_wait3A_210 = arith.constant 0 : i32
      %dma_wait3A_211 = arith.constant 0 : i32
      %dma_wait3A_212 = tpu.memref_slice %arg2[%dma_wait3A_210, %dma_wait3A_211] : memref<10000x128xf32, #tpu.memory_space<hbm>> -> memref<10000x128xf32, #tpu.memory_space<hbm>>
      tpu.wait_indirect_dma semaphore(%arg16 : memref<!tpu.dma_semaphore, #tpu.memory_space<semaphore_mem>>) src(%dma_wait3A_212 : memref<10000x128xf32, #tpu.memory_space<hbm>>) dst(%arg13 : memref<80x128xf32, #tpu.memory_space<vmem>>)
      "tpu.region"() ({
        %run_scoped3A = tpu.sem_alloc : memref<!tpu.dma_semaphore, #tpu.memory_space<semaphore_mem>>
        %dma_start3A_311 = arith.constant 0 : i32
        %dma_start3A_312 = arith.constant 0 : i32
        %dma_start3A_313 = tpu.memref_slice %arg15[%dma_start3A_311, %dma_start3A_312] : memref<10112x128xf32, #tpu.memory_space<vmem_shared>> -> memref<10112x128xf32, #tpu.memory_space<vmem_shared>>
        tpu.enqueue_indirect_dma source(%arg13 : memref<80x128xf32, #tpu.memory_space<vmem>>) target(%dma_start3A_313 : memref<10112x128xf32, #tpu.memory_space<vmem_shared>>) offsets(%arg10 : memref<80xi32, #tpu.memory_space<vmem>>) semaphore(%run_scoped3A : memref<!tpu.dma_semaphore, #tpu.memory_space<semaphore_mem>>) {add = true}
        %dma_wait3A_314 = arith.constant 0 : i32
        %dma_wait3A_315 = arith.constant 0 : i32
        %dma_wait3A_316 = tpu.memref_slice %arg15[%dma_wait3A_314, %dma_wait3A_315] : memref<10112x128xf32, #tpu.memory_space<vmem_shared>> -> memref<10112x128xf32, #tpu.memory_space<vmem_shared>>
        tpu.wait_indirect_dma semaphore(%run_scoped3A : memref<!tpu.dma_semaphore, #tpu.memory_space<semaphore_mem>>) src(%arg13 : memref<80x128xf32, #tpu.memory_space<vmem>>) dst(%dma_wait3A_316 : memref<10112x128xf32, #tpu.memory_space<vmem_shared>>)
        tpu.yield
      }) : () -> ()
      %add3A_213 = arith.constant 2 : i32
      %add3A_214 = arith.addi %mul3A_114, %add3A_213 : i32
      %get3A_215 = arith.index_cast %add3A_214 : i32 to index
      %get3A_216 = arith.constant 0 : index
      %get3A_217 = tpu.vector_load %arg8[%get3A_215, %get3A_216] {strides = array<i32>} : memref<125x80xi32, #tpu.memory_space<vmem>>, vector<1x16xi32>,
      %get3A_218 = vector.shape_cast %get3A_217 : vector<1x16xi32> to vector<16xi32>
      %and3A_219 = arith.constant 65535 : i32
      %and3A_220 = vector.broadcast %and3A_219 : i32 to vector<16xi32>
      %and3A_221 = arith.andi %get3A_218, %and3A_220 : vector<16xi32>
      %swap3A_222 = arith.constant 0 : index
      %swap3A_223 = tpu.vector_load %arg9[%swap3A_222] {strides = array<i32>} : memref<80xi32, #tpu.memory_space<vmem>>, vector<16xi32>,
      %swap3A_224 = vector.shape_cast %swap3A_223 : vector<16xi32> to vector<16xi32>
      %swap3A_225 = vector.shape_cast %and3A_221 : vector<16xi32> to vector<16xi32>
      tpu.vector_store %arg9[%swap3A_222], %swap3A_225 {strides = array<i32>} : memref<80xi32, #tpu.memory_space<vmem>>, vector<16xi32>,
      %shift_right_arithmetic3A_226 = arith.constant 16 : i32
      %shift_right_arithmetic3A_227 = vector.broadcast %shift_right_arithmetic3A_226 : i32 to vector<16xi32>
      %shift_right_arithmetic3A_228 = arith.shrsi %get3A_218, %shift_right_arithmetic3A_227 : vector<16xi32>
      %swap3A_229 = arith.constant 0 : index
      %swap3A_230 = tpu.vector_load %arg10[%swap3A_229] {strides = array<i32>} : memref<80xi32, #tpu.memory_space<vmem>>, vector<16xi32>,
      %swap3A_231 = vector.shape_cast %swap3A_230 : vector<16xi32> to vector<16xi32>
      %swap3A_232 = vector.shape_cast %shift_right_arithmetic3A_228 : vector<16xi32> to vector<16xi32>
      tpu.vector_store %arg10[%swap3A_229], %swap3A_232 {strides = array<i32>} : memref<80xi32, #tpu.memory_space<vmem>>, vector<16xi32>,
      %get3A_233 = arith.index_cast %add3A_214 : i32 to index
      %get3A_234 = arith.constant 16 : index
      %get3A_235 = tpu.vector_load %arg8[%get3A_233, %get3A_234] {strides = array<i32>} : memref<125x80xi32, #tpu.memory_space<vmem>>, vector<1x16xi32>,
      %get3A_236 = vector.shape_cast %get3A_235 : vector<1x16xi32> to vector<16xi32>
      %and3A_237 = arith.constant 65535 : i32
      %and3A_238 = vector.broadcast %and3A_237 : i32 to vector<16xi32>
      %and3A_239 = arith.andi %get3A_236, %and3A_238 : vector<16xi32>
      %swap3A_240 = arith.constant 16 : index
      %swap3A_241 = tpu.vector_load %arg9[%swap3A_240] {strides = array<i32>} : memref<80xi32, #tpu.memory_space<vmem>>, vector<16xi32>,
      %swap3A_242 = vector.shape_cast %swap3A_241 : vector<16xi32> to vector<16xi32>
      %swap3A_243 = vector.shape_cast %and3A_239 : vector<16xi32> to vector<16xi32>
      tpu.vector_store %arg9[%swap3A_240], %swap3A_243 {strides = array<i32>} : memref<80xi32, #tpu.memory_space<vmem>>, vector<16xi32>,
      %shift_right_arithmetic3A_244 = arith.constant 16 : i32
      %shift_right_arithmetic3A_245 = vector.broadcast %shift_right_arithmetic3A_244 : i32 to vector<16xi32>
      %shift_right_arithmetic3A_246 = arith.shrsi %get3A_236, %shift_right_arithmetic3A_245 : vector<16xi32>
      %swap3A_247 = arith.constant 16 : index
      %swap3A_248 = tpu.vector_load %arg10[%swap3A_247] {strides = array<i32>} : memref<80xi32, #tpu.memory_space<vmem>>, vector<16xi32>,
      %swap3A_249 = vector.shape_cast %swap3A_248 : vector<16xi32> to vector<16xi32>
      %swap3A_250 = vector.shape_cast %shift_right_arithmetic3A_246 : vector<16xi32> to vector<16xi32>
      tpu.vector_store %arg10[%swap3A_247], %swap3A_250 {strides = array<i32>} : memref<80xi32, #tpu.memory_space<vmem>>, vector<16xi32>,
      %get3A_251 = arith.index_cast %add3A_214 : i32 to index
      %get3A_252 = arith.constant 32 : index
      %get3A_253 = tpu.vector_load %arg8[%get3A_251, %get3A_252] {strides = array<i32>} : memref<125x80xi32, #tpu.memory_space<vmem>>, vector<1x16xi32>,
      %get3A_254 = vector.shape_cast %get3A_253 : vector<1x16xi32> to vector<16xi32>
      %and3A_255 = arith.constant 65535 : i32
      %and3A_256 = vector.broadcast %and3A_255 : i32 to vector<16xi32>
      %and3A_257 = arith.andi %get3A_254, %and3A_256 : vector<16xi32>
      %swap3A_258 = arith.constant 32 : index
      %swap3A_259 = tpu.vector_load %arg9[%swap3A_258] {strides = array<i32>} : memref<80xi32, #tpu.memory_space<vmem>>, vector<16xi32>,
      %swap3A_260 = vector.shape_cast %swap3A_259 : vector<16xi32> to vector<16xi32>
      %swap3A_261 = vector.shape_cast %and3A_257 : vector<16xi32> to vector<16xi32>
      tpu.vector_store %arg9[%swap3A_258], %swap3A_261 {strides = array<i32>} : memref<80xi32, #tpu.memory_space<vmem>>, vector<16xi32>,
      %shift_right_arithmetic3A_262 = arith.constant 16 : i32
      %shift_right_arithmetic3A_263 = vector.broadcast %shift_right_arithmetic3A_262 : i32 to vector<16xi32>
      %shift_right_arithmetic3A_264 = arith.shrsi %get3A_254, %shift_right_arithmetic3A_263 : vector<16xi32>
      %swap3A_265 = arith.constant 32 : index
      %swap3A_266 = tpu.vector_load %arg10[%swap3A_265] {strides = array<i32>} : memref<80xi32, #tpu.memory_space<vmem>>, vector<16xi32>,
      %swap3A_267 = vector.shape_cast %swap3A_266 : vector<16xi32> to vector<16xi32>
      %swap3A_268 = vector.shape_cast %shift_right_arithmetic3A_264 : vector<16xi32> to vector<16xi32>
      tpu.vector_store %arg10[%swap3A_265], %swap3A_268 {strides = array<i32>} : memref<80xi32, #tpu.memory_space<vmem>>, vector<16xi32>,
      %get3A_269 = arith.index_cast %add3A_214 : i32 to index
      %get3A_270 = arith.constant 48 : index
      %get3A_271 = tpu.vector_load %arg8[%get3A_269, %get3A_270] {strides = array<i32>} : memref<125x80xi32, #tpu.memory_space<vmem>>, vector<1x16xi32>,
      %get3A_272 = vector.shape_cast %get3A_271 : vector<1x16xi32> to vector<16xi32>
      %and3A_273 = arith.constant 65535 : i32
      %and3A_274 = vector.broadcast %and3A_273 : i32 to vector<16xi32>
      %and3A_275 = arith.andi %get3A_272, %and3A_274 : vector<16xi32>
      %swap3A_276 = arith.constant 48 : index
      %swap3A_277 = tpu.vector_load %arg9[%swap3A_276] {strides = array<i32>} : memref<80xi32, #tpu.memory_space<vmem>>, vector<16xi32>,
      %swap3A_278 = vector.shape_cast %swap3A_277 : vector<16xi32> to vector<16xi32>
      %swap3A_279 = vector.shape_cast %and3A_275 : vector<16xi32> to vector<16xi32>
      tpu.vector_store %arg9[%swap3A_276], %swap3A_279 {strides = array<i32>} : memref<80xi32, #tpu.memory_space<vmem>>, vector<16xi32>,
      %shift_right_arithmetic3A_280 = arith.constant 16 : i32
      %shift_right_arithmetic3A_281 = vector.broadcast %shift_right_arithmetic3A_280 : i32 to vector<16xi32>
      %shift_right_arithmetic3A_282 = arith.shrsi %get3A_272, %shift_right_arithmetic3A_281 : vector<16xi32>
      %swap3A_283 = arith.constant 48 : index
      %swap3A_284 = tpu.vector_load %arg10[%swap3A_283] {strides = array<i32>} : memref<80xi32, #tpu.memory_space<vmem>>, vector<16xi32>,
      %swap3A_285 = vector.shape_cast %swap3A_284 : vector<16xi32> to vector<16xi32>
      %swap3A_286 = vector.shape_cast %shift_right_arithmetic3A_282 : vector<16xi32> to vector<16xi32>
      tpu.vector_store %arg10[%swap3A_283], %swap3A_286 {strides = array<i32>} : memref<80xi32, #tpu.memory_space<vmem>>, vector<16xi32>,
      %get3A_287 = arith.index_cast %add3A_214 : i32 to index
      %get3A_288 = arith.constant 64 : index
      %get3A_289 = tpu.vector_load %arg8[%get3A_287, %get3A_288] {strides = array<i32>} : memref<125x80xi32, #tpu.memory_space<vmem>>, vector<1x16xi32>,
      %get3A_290 = vector.shape_cast %get3A_289 : vector<1x16xi32> to vector<16xi32>
      %and3A_291 = arith.constant 65535 : i32
      %and3A_292 = vector.broadcast %and3A_291 : i32 to vector<16xi32>
      %and3A_293 = arith.andi %get3A_290, %and3A_292 : vector<16xi32>
      %swap3A_294 = arith.constant 64 : index
      %swap3A_295 = tpu.vector_load %arg9[%swap3A_294] {strides = array<i32>} : memref<80xi32, #tpu.memory_space<vmem>>, vector<16xi32>,
      %swap3A_296 = vector.shape_cast %swap3A_295 : vector<16xi32> to vector<16xi32>
      %swap3A_297 = vector.shape_cast %and3A_293 : vector<16xi32> to vector<16xi32>
      tpu.vector_store %arg9[%swap3A_294], %swap3A_297 {strides = array<i32>} : memref<80xi32, #tpu.memory_space<vmem>>, vector<16xi32>,
      %shift_right_arithmetic3A_298 = arith.constant 16 : i32
      %shift_right_arithmetic3A_299 = vector.broadcast %shift_right_arithmetic3A_298 : i32 to vector<16xi32>
      %shift_right_arithmetic3A_300 = arith.shrsi %get3A_290, %shift_right_arithmetic3A_299 : vector<16xi32>
      %swap3A_301 = arith.constant 64 : index
      %swap3A_302 = tpu.vector_load %arg10[%swap3A_301] {strides = array<i32>} : memref<80xi32, #tpu.memory_space<vmem>>, vector<16xi32>,
      %swap3A_303 = vector.shape_cast %swap3A_302 : vector<16xi32> to vector<16xi32>
      %swap3A_304 = vector.shape_cast %shift_right_arithmetic3A_300 : vector<16xi32> to vector<16xi32>
      tpu.vector_store %arg10[%swap3A_301], %swap3A_304 {strides = array<i32>} : memref<80xi32, #tpu.memory_space<vmem>>, vector<16xi32>,
      %dma_start3A_305 = arith.constant 0 : i32
      %dma_start3A_306 = arith.constant 0 : i32
      %dma_start3A_307 = tpu.memref_slice %arg2[%dma_start3A_305, %dma_start3A_306] : memref<10000x128xf32, #tpu.memory_space<hbm>> -> memref<10000x128xf32, #tpu.memory_space<hbm>>
      tpu.enqueue_indirect_dma source(%dma_start3A_307 : memref<10000x128xf32, #tpu.memory_space<hbm>>) target(%arg13 : memref<80x128xf32, #tpu.memory_space<vmem>>) offsets(%arg9 : memref<80xi32, #tpu.memory_space<vmem>>) semaphore(%arg16 : memref<!tpu.dma_semaphore, #tpu.memory_space<semaphore_mem>>)
      %dma_wait3A_308 = arith.constant 0 : i32
      %dma_wait3A_309 = arith.constant 0 : i32
      %dma_wait3A_310 = tpu.memref_slice %arg2[%dma_wait3A_308, %dma_wait3A_309] : memref<10000x128xf32, #tpu.memory_space<hbm>> -> memref<10000x128xf32, #tpu.memory_space<hbm>>
      tpu.wait_indirect_dma semaphore(%arg17 : memref<!tpu.dma_semaphore, #tpu.memory_space<semaphore_mem>>) src(%dma_wait3A_310 : memref<10000x128xf32, #tpu.memory_space<hbm>>) dst(%arg14 : memref<80x128xf32, #tpu.memory_space<vmem>>)
      "tpu.region"() ({
        %run_scoped3A = tpu.sem_alloc : memref<!tpu.dma_semaphore, #tpu.memory_space<semaphore_mem>>
        %dma_start3A_311 = arith.constant 0 : i32
        %dma_start3A_312 = arith.constant 0 : i32
        %dma_start3A_313 = tpu.memref_slice %arg15[%dma_start3A_311, %dma_start3A_312] : memref<10112x128xf32, #tpu.memory_space<vmem_shared>> -> memref<10112x128xf32, #tpu.memory_space<vmem_shared>>
        tpu.enqueue_indirect_dma source(%arg14 : memref<80x128xf32, #tpu.memory_space<vmem>>) target(%dma_start3A_313 : memref<10112x128xf32, #tpu.memory_space<vmem_shared>>) offsets(%arg12 : memref<80xi32, #tpu.memory_space<vmem>>) semaphore(%run_scoped3A : memref<!tpu.dma_semaphore, #tpu.memory_space<semaphore_mem>>) {add = true}
        %dma_wait3A_314 = arith.constant 0 : i32
        %dma_wait3A_315 = arith.constant 0 : i32
        %dma_wait3A_316 = tpu.memref_slice %arg15[%dma_wait3A_314, %dma_wait3A_315] : memref<10112x128xf32, #tpu.memory_space<vmem_shared>> -> memref<10112x128xf32, #tpu.memory_space<vmem_shared>>
        tpu.wait_indirect_dma semaphore(%run_scoped3A : memref<!tpu.dma_semaphore, #tpu.memory_space<semaphore_mem>>) src(%arg14 : memref<80x128xf32, #tpu.memory_space<vmem>>) dst(%dma_wait3A_316 : memref<10112x128xf32, #tpu.memory_space<vmem_shared>>)
        tpu.yield
      }) : () -> ()
    }
    %scan3A_108 = arith.constant 62 : i32
    %dma_wait3A = arith.constant 0 : i32
    %dma_wait3A_109 = arith.constant 0 : i32
    %dma_wait3A_110 = tpu.memref_slice %arg2[%dma_wait3A, %dma_wait3A_109] : memref<10000x128xf32, #tpu.memory_space<hbm>> -> memref<10000x128xf32, #tpu.memory_space<hbm>>
    tpu.wait_indirect_dma semaphore(%arg16 : memref<!tpu.dma_semaphore, #tpu.memory_space<semaphore_mem>>) src(%dma_wait3A_110 : memref<10000x128xf32, #tpu.memory_space<hbm>>) dst(%arg13 : memref<80x128xf32, #tpu.memory_space<vmem>>)
    "tpu.region"() ({
      %run_scoped3A = tpu.sem_alloc : memref<!tpu.dma_semaphore, #tpu.memory_space<semaphore_mem>>
      %dma_start3A_112 = arith.constant 0 : i32
      %dma_start3A_113 = arith.constant 0 : i32
      %dma_start3A_114 = tpu.memref_slice %arg15[%dma_start3A_112, %dma_start3A_113] : memref<10112x128xf32, #tpu.memory_space<vmem_shared>> -> memref<10112x128xf32, #tpu.memory_space<vmem_shared>>
      tpu.enqueue_indirect_dma source(%arg13 : memref<80x128xf32, #tpu.memory_space<vmem>>) target(%dma_start3A_114 : memref<10112x128xf32, #tpu.memory_space<vmem_shared>>) offsets(%arg10 : memref<80xi32, #tpu.memory_space<vmem>>) semaphore(%run_scoped3A : memref<!tpu.dma_semaphore, #tpu.memory_space<semaphore_mem>>) {add = true}
      %dma_wait3A_115 = arith.constant 0 : i32
      %dma_wait3A_116 = arith.constant 0 : i32
      %dma_wait3A_117 = tpu.memref_slice %arg15[%dma_wait3A_115, %dma_wait3A_116] : memref<10112x128xf32, #tpu.memory_space<vmem_shared>> -> memref<10112x128xf32, #tpu.memory_space<vmem_shared>>
      tpu.wait_indirect_dma semaphore(%run_scoped3A : memref<!tpu.dma_semaphore, #tpu.memory_space<semaphore_mem>>) src(%arg13 : memref<80x128xf32, #tpu.memory_space<vmem>>) dst(%dma_wait3A_117 : memref<10112x128xf32, #tpu.memory_space<vmem_shared>>)
      tpu.yield
    }) : () -> ()
    %barrier3A_111 = arith.constant 0 : index
    tpu.barrier barrier_id(%barrier3A_111)
    "tpu.region"() ({
      %run_scoped3A = tpu.sem_alloc : memref<!tpu.dma_semaphore, #tpu.memory_space<semaphore_mem>>
      %dma_start3A_112 = arith.constant 0 : i32
      %dma_start3A_113 = tpu.memref_slice %arg6[%arg0, %mul3A_2, %dma_start3A_112] : memref<2x10112x128xf32, #tpu.memory_space<hbm>> -> memref<1x632x128xf32, #tpu.memory_space<hbm>>
      %dma_start3A_114 = tpu.memref_squeeze %dma_start3A_113 : memref<1x632x128xf32, #tpu.memory_space<hbm>> -> memref<632x128xf32, #tpu.memory_space<hbm>>
      %dma_start3A_115 = arith.constant 0 : i32
      %dma_start3A_116 = tpu.memref_slice %arg15[%mul3A_2, %dma_start3A_115] : memref<10112x128xf32, #tpu.memory_space<vmem_shared>> -> memref<632x128xf32, #tpu.memory_space<vmem_shared>>
      tpu.enqueue_dma source(%dma_start3A_116 : memref<632x128xf32, #tpu.memory_space<vmem_shared>>) target(%dma_start3A_114 : memref<632x128xf32, #tpu.memory_space<hbm>>) target_semaphore(%run_scoped3A : memref<!tpu.dma_semaphore, #tpu.memory_space<semaphore_mem>>)
      %dma_wait3A_117 = arith.constant 0 : i32
      %dma_wait3A_118 = tpu.memref_slice %arg6[%arg0, %mul3A_2, %dma_wait3A_117] : memref<2x10112x128xf32, #tpu.memory_space<hbm>> -> memref<1x632x128xf32, #tpu.memory_space<hbm>>
      %dma_wait3A_119 = tpu.memref_squeeze %dma_wait3A_118 : memref<1x632x128xf32, #tpu.memory_space<hbm>> -> memref<632x128xf32, #tpu.memory_space<hbm>>
      %dma_wait3A_120 = arith.constant 0 : i32
      %dma_wait3A_121 = tpu.memref_slice %arg15[%mul3A_2, %dma_wait3A_120] : memref<10112x128xf32, #tpu.memory_space<vmem_shared>> -> memref<632x128xf32, #tpu.memory_space<vmem_shared>>
      tpu.wait_dma2 semaphore(%run_scoped3A : memref<!tpu.dma_semaphore, #tpu.memory_space<semaphore_mem>>) src(%dma_wait3A_121 : memref<632x128xf32, #tpu.memory_space<vmem_shared>>) dst(%dma_wait3A_119 : memref<632x128xf32, #tpu.memory_space<hbm>>)
      tpu.yield
    }) : () -> ()
    return
  }
}

#map = affine_map<(d0, d1) -> (0, 0)>
#map1 = affine_map<(d0, d1) -> (0, 0, 0)>
module attributes {stable_mosaic.version = 14 : i64} {
  func.func @_sc_agg_body(%arg0: i32, %arg1: i32, %arg2: memref<10000x128xf32, #tpu.memory_space<hbm>>, %arg3: memref<32x125x80xi32, #tpu.memory_space<hbm>>, %arg4: memref<10112x128xf32, #tpu.memory_space<hbm>>, %arg5: memref<2x10112x128xf32, #tpu.memory_space<hbm>>, %arg6: memref<125x80xi32, #tpu.memory_space<vmem>>, %arg7: memref<80xi32, #tpu.memory_space<vmem>>, %arg8: memref<80xi32, #tpu.memory_space<vmem>>, %arg9: memref<80xi32, #tpu.memory_space<vmem>>, %arg10: memref<80xi32, #tpu.memory_space<vmem>>, %arg11: memref<80x128xf32, #tpu.memory_space<vmem>>, %arg12: memref<80x128xf32, #tpu.memory_space<vmem>>, %arg13: memref<10112x128xf32, #tpu.memory_space<vmem_shared>>, %arg14: memref<!tpu.dma_semaphore, #tpu.memory_space<semaphore_mem>>, %arg15: memref<!tpu.dma_semaphore, #tpu.memory_space<semaphore_mem>>) attributes {dimension_semantics = [#tpu.dimension_semantics<core_parallel>, #tpu.dimension_semantics<subcore_parallel>], iteration_bounds = array<i64: 2, 16>, scalar_prefetch = 0 : i64, scratch_operands = 10 : i64, tpu.core_type = #tpu.core_type<sc_vector_subcore>, window_params = [{transform_indices = #map}, {transform_indices = #map1}, {transform_indices = #map}, {transform_indices = #map1}]} {
    %mul3A = arith.constant 2 : i32
    %mul3A_0 = arith.muli %arg1, %mul3A : i32
    %add3A = arith.addi %mul3A_0, %arg0 : i32
    %mul3A_1 = arith.constant 632 : i32
    %mul3A_2 = arith.muli %arg1, %mul3A_1 : i32
    "tpu.region"() ({
      %run_scoped3A = tpu.sem_alloc : memref<!tpu.dma_semaphore, #tpu.memory_space<semaphore_mem>>
      %dma_start3A_104 = arith.constant 0 : i32
      %dma_start3A_105 = tpu.memref_slice %arg13[%mul3A_2, %dma_start3A_104] : memref<10112x128xf32, #tpu.memory_space<vmem_shared>> -> memref<632x128xf32, #tpu.memory_space<vmem_shared>>
      %dma_start3A_106 = arith.constant 0 : i32
      %dma_start3A_107 = tpu.memref_slice %arg4[%mul3A_2, %dma_start3A_106] : memref<10112x128xf32, #tpu.memory_space<hbm>> -> memref<632x128xf32, #tpu.memory_space<hbm>>
      tpu.enqueue_dma source(%dma_start3A_107 : memref<632x128xf32, #tpu.memory_space<hbm>>) target(%dma_start3A_105 : memref<632x128xf32, #tpu.memory_space<vmem_shared>>) target_semaphore(%run_scoped3A : memref<!tpu.dma_semaphore, #tpu.memory_space<semaphore_mem>>)
      %dma_wait3A_108 = arith.constant 0 : i32
      %dma_wait3A_109 = tpu.memref_slice %arg13[%mul3A_2, %dma_wait3A_108] : memref<10112x128xf32, #tpu.memory_space<vmem_shared>> -> memref<632x128xf32, #tpu.memory_space<vmem_shared>>
      %dma_wait3A_110 = arith.constant 0 : i32
      %dma_wait3A_111 = tpu.memref_slice %arg4[%mul3A_2, %dma_wait3A_110] : memref<10112x128xf32, #tpu.memory_space<hbm>> -> memref<632x128xf32, #tpu.memory_space<hbm>>
      tpu.wait_dma2 semaphore(%run_scoped3A : memref<!tpu.dma_semaphore, #tpu.memory_space<semaphore_mem>>) src(%dma_wait3A_111 : memref<632x128xf32, #tpu.memory_space<hbm>>) dst(%dma_wait3A_109 : memref<632x128xf32, #tpu.memory_space<vmem_shared>>)
      tpu.yield
    }) : () -> ()
    "tpu.region"() ({
      %run_scoped3A = tpu.sem_alloc : memref<!tpu.dma_semaphore, #tpu.memory_space<semaphore_mem>>
      %dma_start3A_104 = arith.constant 0 : i32
      %dma_start3A_105 = arith.constant 0 : i32
      %dma_start3A_106 = tpu.memref_slice %arg3[%add3A, %dma_start3A_104, %dma_start3A_105] : memref<32x125x80xi32, #tpu.memory_space<hbm>> -> memref<1x125x80xi32, #tpu.memory_space<hbm>>
      %dma_start3A_107 = tpu.memref_squeeze %dma_start3A_106 : memref<1x125x80xi32, #tpu.memory_space<hbm>> -> memref<125x80xi32, #tpu.memory_space<hbm>>
      %dma_start3A_108 = arith.constant 0 : i32
      %dma_start3A_109 = arith.constant 0 : i32
      %dma_start3A_110 = tpu.memref_slice %arg3[%add3A, %dma_start3A_108, %dma_start3A_109] : memref<32x125x80xi32, #tpu.memory_space<hbm>> -> memref<1x125x80xi32, #tpu.memory_space<hbm>>
      %dma_start3A_111 = tpu.memref_squeeze %dma_start3A_110 : memref<1x125x80xi32, #tpu.memory_space<hbm>> -> memref<125x80xi32, #tpu.memory_space<hbm>>
      tpu.enqueue_dma source(%dma_start3A_111 : memref<125x80xi32, #tpu.memory_space<hbm>>) target(%arg6 : memref<125x80xi32, #tpu.memory_space<vmem>>) target_semaphore(%run_scoped3A : memref<!tpu.dma_semaphore, #tpu.memory_space<semaphore_mem>>)
      %dma_wait3A_112 = arith.constant 0 : i32
      %dma_wait3A_113 = arith.constant 0 : i32
      %dma_wait3A_114 = tpu.memref_slice %arg3[%add3A, %dma_wait3A_112, %dma_wait3A_113] : memref<32x125x80xi32, #tpu.memory_space<hbm>> -> memref<1x125x80xi32, #tpu.memory_space<hbm>>
      %dma_wait3A_115 = tpu.memref_squeeze %dma_wait3A_114 : memref<1x125x80xi32, #tpu.memory_space<hbm>> -> memref<125x80xi32, #tpu.memory_space<hbm>>
      %dma_wait3A_116 = arith.constant 0 : i32
      %dma_wait3A_117 = arith.constant 0 : i32
      %dma_wait3A_118 = tpu.memref_slice %arg3[%add3A, %dma_wait3A_116, %dma_wait3A_117] : memref<32x125x80xi32, #tpu.memory_space<hbm>> -> memref<1x125x80xi32, #tpu.memory_space<hbm>>
      %dma_wait3A_119 = tpu.memref_squeeze %dma_wait3A_118 : memref<1x125x80xi32, #tpu.memory_space<hbm>> -> memref<125x80xi32, #tpu.memory_space<hbm>>
      tpu.wait_dma2 semaphore(%run_scoped3A : memref<!tpu.dma_semaphore, #tpu.memory_space<semaphore_mem>>) src(%dma_wait3A_119 : memref<125x80xi32, #tpu.memory_space<hbm>>) dst(%arg6 : memref<125x80xi32, #tpu.memory_space<vmem>>)
      tpu.yield
    }) : () -> ()
    %barrier3A = arith.constant 0 : index
    tpu.barrier barrier_id(%barrier3A)
    %get3A = arith.constant 0 : i32
    %get3A_3 = arith.index_cast %get3A : i32 to index
    %get3A_4 = arith.constant 0 : index
    %get3A_5 = tpu.vector_load %arg6[%get3A_3, %get3A_4] {strides = array<i32>} : memref<125x80xi32, #tpu.memory_space<vmem>>, vector<1x16xi32>,
    %get3A_6 = vector.shape_cast %get3A_5 : vector<1x16xi32> to vector<16xi32>
    %and3A = arith.constant 65535 : i32
    %and3A_7 = vector.broadcast %and3A : i32 to vector<16xi32>
    %and3A_8 = arith.andi %get3A_6, %and3A_7 : vector<16xi32>
    %swap3A = arith.constant 0 : index
    %swap3A_9 = tpu.vector_load %arg7[%swap3A] {strides = array<i32>} : memref<80xi32, #tpu.memory_space<vmem>>, vector<16xi32>,
    %swap3A_10 = vector.shape_cast %swap3A_9 : vector<16xi32> to vector<16xi32>
    %swap3A_11 = vector.shape_cast %and3A_8 : vector<16xi32> to vector<16xi32>
    tpu.vector_store %arg7[%swap3A], %swap3A_11 {strides = array<i32>} : memref<80xi32, #tpu.memory_space<vmem>>, vector<16xi32>,
    %shift_right_arithmetic3A = arith.constant 16 : i32
    %shift_right_arithmetic3A_12 = vector.broadcast %shift_right_arithmetic3A : i32 to vector<16xi32>
    %shift_right_arithmetic3A_13 = arith.shrsi %get3A_6, %shift_right_arithmetic3A_12 : vector<16xi32>
    %swap3A_14 = arith.constant 0 : index
    %swap3A_15 = tpu.vector_load %arg8[%swap3A_14] {strides = array<i32>} : memref<80xi32, #tpu.memory_space<vmem>>, vector<16xi32>,
    %swap3A_16 = vector.shape_cast %swap3A_15 : vector<16xi32> to vector<16xi32>
    %swap3A_17 = vector.shape_cast %shift_right_arithmetic3A_13 : vector<16xi32> to vector<16xi32>
    tpu.vector_store %arg8[%swap3A_14], %swap3A_17 {strides = array<i32>} : memref<80xi32, #tpu.memory_space<vmem>>, vector<16xi32>,
    %get3A_18 = arith.constant 0 : i32
    %get3A_19 = arith.index_cast %get3A_18 : i32 to index
    %get3A_20 = arith.constant 16 : index
    %get3A_21 = tpu.vector_load %arg6[%get3A_19, %get3A_20] {strides = array<i32>} : memref<125x80xi32, #tpu.memory_space<vmem>>, vector<1x16xi32>,
    %get3A_22 = vector.shape_cast %get3A_21 : vector<1x16xi32> to vector<16xi32>
    %and3A_23 = arith.constant 65535 : i32
    %and3A_24 = vector.broadcast %and3A_23 : i32 to vector<16xi32>
    %and3A_25 = arith.andi %get3A_22, %and3A_24 : vector<16xi32>
    %swap3A_26 = arith.constant 16 : index
    %swap3A_27 = tpu.vector_load %arg7[%swap3A_26] {strides = array<i32>} : memref<80xi32, #tpu.memory_space<vmem>>, vector<16xi32>,
    %swap3A_28 = vector.shape_cast %swap3A_27 : vector<16xi32> to vector<16xi32>
    %swap3A_29 = vector.shape_cast %and3A_25 : vector<16xi32> to vector<16xi32>
    tpu.vector_store %arg7[%swap3A_26], %swap3A_29 {strides = array<i32>} : memref<80xi32, #tpu.memory_space<vmem>>, vector<16xi32>,
    %shift_right_arithmetic3A_30 = arith.constant 16 : i32
    %shift_right_arithmetic3A_31 = vector.broadcast %shift_right_arithmetic3A_30 : i32 to vector<16xi32>
    %shift_right_arithmetic3A_32 = arith.shrsi %get3A_22, %shift_right_arithmetic3A_31 : vector<16xi32>
    %swap3A_33 = arith.constant 16 : index
    %swap3A_34 = tpu.vector_load %arg8[%swap3A_33] {strides = array<i32>} : memref<80xi32, #tpu.memory_space<vmem>>, vector<16xi32>,
    %swap3A_35 = vector.shape_cast %swap3A_34 : vector<16xi32> to vector<16xi32>
    %swap3A_36 = vector.shape_cast %shift_right_arithmetic3A_32 : vector<16xi32> to vector<16xi32>
    tpu.vector_store %arg8[%swap3A_33], %swap3A_36 {strides = array<i32>} : memref<80xi32, #tpu.memory_space<vmem>>, vector<16xi32>,
    %get3A_37 = arith.constant 0 : i32
    %get3A_38 = arith.index_cast %get3A_37 : i32 to index
    %get3A_39 = arith.constant 32 : index
    %get3A_40 = tpu.vector_load %arg6[%get3A_38, %get3A_39] {strides = array<i32>} : memref<125x80xi32, #tpu.memory_space<vmem>>, vector<1x16xi32>,
    %get3A_41 = vector.shape_cast %get3A_40 : vector<1x16xi32> to vector<16xi32>
    %and3A_42 = arith.constant 65535 : i32
    %and3A_43 = vector.broadcast %and3A_42 : i32 to vector<16xi32>
    %and3A_44 = arith.andi %get3A_41, %and3A_43 : vector<16xi32>
    %swap3A_45 = arith.constant 32 : index
    %swap3A_46 = tpu.vector_load %arg7[%swap3A_45] {strides = array<i32>} : memref<80xi32, #tpu.memory_space<vmem>>, vector<16xi32>,
    %swap3A_47 = vector.shape_cast %swap3A_46 : vector<16xi32> to vector<16xi32>
    %swap3A_48 = vector.shape_cast %and3A_44 : vector<16xi32> to vector<16xi32>
    tpu.vector_store %arg7[%swap3A_45], %swap3A_48 {strides = array<i32>} : memref<80xi32, #tpu.memory_space<vmem>>, vector<16xi32>,
    %shift_right_arithmetic3A_49 = arith.constant 16 : i32
    %shift_right_arithmetic3A_50 = vector.broadcast %shift_right_arithmetic3A_49 : i32 to vector<16xi32>
    %shift_right_arithmetic3A_51 = arith.shrsi %get3A_41, %shift_right_arithmetic3A_50 : vector<16xi32>
    %swap3A_52 = arith.constant 32 : index
    %swap3A_53 = tpu.vector_load %arg8[%swap3A_52] {strides = array<i32>} : memref<80xi32, #tpu.memory_space<vmem>>, vector<16xi32>,
    %swap3A_54 = vector.shape_cast %swap3A_53 : vector<16xi32> to vector<16xi32>
    %swap3A_55 = vector.shape_cast %shift_right_arithmetic3A_51 : vector<16xi32> to vector<16xi32>
    tpu.vector_store %arg8[%swap3A_52], %swap3A_55 {strides = array<i32>} : memref<80xi32, #tpu.memory_space<vmem>>, vector<16xi32>,
    %get3A_56 = arith.constant 0 : i32
    %get3A_57 = arith.index_cast %get3A_56 : i32 to index
    %get3A_58 = arith.constant 48 : index
    %get3A_59 = tpu.vector_load %arg6[%get3A_57, %get3A_58] {strides = array<i32>} : memref<125x80xi32, #tpu.memory_space<vmem>>, vector<1x16xi32>,
    %get3A_60 = vector.shape_cast %get3A_59 : vector<1x16xi32> to vector<16xi32>
    %and3A_61 = arith.constant 65535 : i32
    %and3A_62 = vector.broadcast %and3A_61 : i32 to vector<16xi32>
    %and3A_63 = arith.andi %get3A_60, %and3A_62 : vector<16xi32>
    %swap3A_64 = arith.constant 48 : index
    %swap3A_65 = tpu.vector_load %arg7[%swap3A_64] {strides = array<i32>} : memref<80xi32, #tpu.memory_space<vmem>>, vector<16xi32>,
    %swap3A_66 = vector.shape_cast %swap3A_65 : vector<16xi32> to vector<16xi32>
    %swap3A_67 = vector.shape_cast %and3A_63 : vector<16xi32> to vector<16xi32>
    tpu.vector_store %arg7[%swap3A_64], %swap3A_67 {strides = array<i32>} : memref<80xi32, #tpu.memory_space<vmem>>, vector<16xi32>,
    %shift_right_arithmetic3A_68 = arith.constant 16 : i32
    %shift_right_arithmetic3A_69 = vector.broadcast %shift_right_arithmetic3A_68 : i32 to vector<16xi32>
    %shift_right_arithmetic3A_70 = arith.shrsi %get3A_60, %shift_right_arithmetic3A_69 : vector<16xi32>
    %swap3A_71 = arith.constant 48 : index
    %swap3A_72 = tpu.vector_load %arg8[%swap3A_71] {strides = array<i32>} : memref<80xi32, #tpu.memory_space<vmem>>, vector<16xi32>,
    %swap3A_73 = vector.shape_cast %swap3A_72 : vector<16xi32> to vector<16xi32>
    %swap3A_74 = vector.shape_cast %shift_right_arithmetic3A_70 : vector<16xi32> to vector<16xi32>
    tpu.vector_store %arg8[%swap3A_71], %swap3A_74 {strides = array<i32>} : memref<80xi32, #tpu.memory_space<vmem>>, vector<16xi32>,
    %get3A_75 = arith.constant 0 : i32
    %get3A_76 = arith.index_cast %get3A_75 : i32 to index
    %get3A_77 = arith.constant 64 : index
    %get3A_78 = tpu.vector_load %arg6[%get3A_76, %get3A_77] {strides = array<i32>} : memref<125x80xi32, #tpu.memory_space<vmem>>, vector<1x16xi32>,
    %get3A_79 = vector.shape_cast %get3A_78 : vector<1x16xi32> to vector<16xi32>
    %and3A_80 = arith.constant 65535 : i32
    %and3A_81 = vector.broadcast %and3A_80 : i32 to vector<16xi32>
    %and3A_82 = arith.andi %get3A_79, %and3A_81 : vector<16xi32>
    %swap3A_83 = arith.constant 64 : index
    %swap3A_84 = tpu.vector_load %arg7[%swap3A_83] {strides = array<i32>} : memref<80xi32, #tpu.memory_space<vmem>>, vector<16xi32>,
    %swap3A_85 = vector.shape_cast %swap3A_84 : vector<16xi32> to vector<16xi32>
    %swap3A_86 = vector.shape_cast %and3A_82 : vector<16xi32> to vector<16xi32>
    tpu.vector_store %arg7[%swap3A_83], %swap3A_86 {strides = array<i32>} : memref<80xi32, #tpu.memory_space<vmem>>, vector<16xi32>,
    %shift_right_arithmetic3A_87 = arith.constant 16 : i32
    %shift_right_arithmetic3A_88 = vector.broadcast %shift_right_arithmetic3A_87 : i32 to vector<16xi32>
    %shift_right_arithmetic3A_89 = arith.shrsi %get3A_79, %shift_right_arithmetic3A_88 : vector<16xi32>
    %swap3A_90 = arith.constant 64 : index
    %swap3A_91 = tpu.vector_load %arg8[%swap3A_90] {strides = array<i32>} : memref<80xi32, #tpu.memory_space<vmem>>, vector<16xi32>,
    %swap3A_92 = vector.shape_cast %swap3A_91 : vector<16xi32> to vector<16xi32>
    %swap3A_93 = vector.shape_cast %shift_right_arithmetic3A_89 : vector<16xi32> to vector<16xi32>
    tpu.vector_store %arg8[%swap3A_90], %swap3A_93 {strides = array<i32>} : memref<80xi32, #tpu.memory_space<vmem>>, vector<16xi32>,
    %dma_start3A = arith.constant 0 : i32
    %dma_start3A_94 = arith.constant 0 : i32
    %dma_start3A_95 = tpu.memref_slice %arg2[%dma_start3A, %dma_start3A_94] : memref<10000x128xf32, #tpu.memory_space<hbm>> -> memref<10000x128xf32, #tpu.memory_space<hbm>>
    tpu.enqueue_indirect_dma source(%dma_start3A_95 : memref<10000x128xf32, #tpu.memory_space<hbm>>) target(%arg11 : memref<80x128xf32, #tpu.memory_space<vmem>>) offsets(%arg7 : memref<80xi32, #tpu.memory_space<vmem>>) semaphore(%arg14 : memref<!tpu.dma_semaphore, #tpu.memory_space<semaphore_mem>>)
    %scan3A = arith.constant 0 : i32
    %scan3A_96 = arith.constant 0 : i32
    %scan3A_97 = arith.constant 62 : i32
    %scan3A_98 = arith.addi %scan3A_96, %scan3A_97 : i32
    %scan3A_99 = arith.constant 1 : i32
    scf.for %scan3A_104 = %scan3A_96 to %scan3A_98 step %scan3A_99  : i32 {
      %mul3A_105 = arith.constant 2 : i32
      %mul3A_106 = arith.muli %mul3A_105, %scan3A_104 : i32
      %add3A_107 = arith.constant 1 : i32
      %add3A_108 = arith.addi %mul3A_106, %add3A_107 : i32
      %get3A_109 = arith.index_cast %add3A_108 : i32 to index
      %get3A_110 = arith.constant 0 : index
      %get3A_111 = tpu.vector_load %arg6[%get3A_109, %get3A_110] {strides = array<i32>} : memref<125x80xi32, #tpu.memory_space<vmem>>, vector<1x16xi32>,
      %get3A_112 = vector.shape_cast %get3A_111 : vector<1x16xi32> to vector<16xi32>
      %and3A_113 = arith.constant 65535 : i32
      %and3A_114 = vector.broadcast %and3A_113 : i32 to vector<16xi32>
      %and3A_115 = arith.andi %get3A_112, %and3A_114 : vector<16xi32>
      %swap3A_116 = arith.constant 0 : index
      %swap3A_117 = tpu.vector_load %arg9[%swap3A_116] {strides = array<i32>} : memref<80xi32, #tpu.memory_space<vmem>>, vector<16xi32>,
      %swap3A_118 = vector.shape_cast %swap3A_117 : vector<16xi32> to vector<16xi32>
      %swap3A_119 = vector.shape_cast %and3A_115 : vector<16xi32> to vector<16xi32>
      tpu.vector_store %arg9[%swap3A_116], %swap3A_119 {strides = array<i32>} : memref<80xi32, #tpu.memory_space<vmem>>, vector<16xi32>,
      %shift_right_arithmetic3A_120 = arith.constant 16 : i32
      %shift_right_arithmetic3A_121 = vector.broadcast %shift_right_arithmetic3A_120 : i32 to vector<16xi32>
      %shift_right_arithmetic3A_122 = arith.shrsi %get3A_112, %shift_right_arithmetic3A_121 : vector<16xi32>
      %swap3A_123 = arith.constant 0 : index
      %swap3A_124 = tpu.vector_load %arg10[%swap3A_123] {strides = array<i32>} : memref<80xi32, #tpu.memory_space<vmem>>, vector<16xi32>,
      %swap3A_125 = vector.shape_cast %swap3A_124 : vector<16xi32> to vector<16xi32>
      %swap3A_126 = vector.shape_cast %shift_right_arithmetic3A_122 : vector<16xi32> to vector<16xi32>
      tpu.vector_store %arg10[%swap3A_123], %swap3A_126 {strides = array<i32>} : memref<80xi32, #tpu.memory_space<vmem>>, vector<16xi32>,
      %get3A_127 = arith.index_cast %add3A_108 : i32 to index
      %get3A_128 = arith.constant 16 : index
      %get3A_129 = tpu.vector_load %arg6[%get3A_127, %get3A_128] {strides = array<i32>} : memref<125x80xi32, #tpu.memory_space<vmem>>, vector<1x16xi32>,
      %get3A_130 = vector.shape_cast %get3A_129 : vector<1x16xi32> to vector<16xi32>
      %and3A_131 = arith.constant 65535 : i32
      %and3A_132 = vector.broadcast %and3A_131 : i32 to vector<16xi32>
      %and3A_133 = arith.andi %get3A_130, %and3A_132 : vector<16xi32>
      %swap3A_134 = arith.constant 16 : index
      %swap3A_135 = tpu.vector_load %arg9[%swap3A_134] {strides = array<i32>} : memref<80xi32, #tpu.memory_space<vmem>>, vector<16xi32>,
      %swap3A_136 = vector.shape_cast %swap3A_135 : vector<16xi32> to vector<16xi32>
      %swap3A_137 = vector.shape_cast %and3A_133 : vector<16xi32> to vector<16xi32>
      tpu.vector_store %arg9[%swap3A_134], %swap3A_137 {strides = array<i32>} : memref<80xi32, #tpu.memory_space<vmem>>, vector<16xi32>,
      %shift_right_arithmetic3A_138 = arith.constant 16 : i32
      %shift_right_arithmetic3A_139 = vector.broadcast %shift_right_arithmetic3A_138 : i32 to vector<16xi32>
      %shift_right_arithmetic3A_140 = arith.shrsi %get3A_130, %shift_right_arithmetic3A_139 : vector<16xi32>
      %swap3A_141 = arith.constant 16 : index
      %swap3A_142 = tpu.vector_load %arg10[%swap3A_141] {strides = array<i32>} : memref<80xi32, #tpu.memory_space<vmem>>, vector<16xi32>,
      %swap3A_143 = vector.shape_cast %swap3A_142 : vector<16xi32> to vector<16xi32>
      %swap3A_144 = vector.shape_cast %shift_right_arithmetic3A_140 : vector<16xi32> to vector<16xi32>
      tpu.vector_store %arg10[%swap3A_141], %swap3A_144 {strides = array<i32>} : memref<80xi32, #tpu.memory_space<vmem>>, vector<16xi32>,
      %get3A_145 = arith.index_cast %add3A_108 : i32 to index
      %get3A_146 = arith.constant 32 : index
      %get3A_147 = tpu.vector_load %arg6[%get3A_145, %get3A_146] {strides = array<i32>} : memref<125x80xi32, #tpu.memory_space<vmem>>, vector<1x16xi32>,
      %get3A_148 = vector.shape_cast %get3A_147 : vector<1x16xi32> to vector<16xi32>
      %and3A_149 = arith.constant 65535 : i32
      %and3A_150 = vector.broadcast %and3A_149 : i32 to vector<16xi32>
      %and3A_151 = arith.andi %get3A_148, %and3A_150 : vector<16xi32>
      %swap3A_152 = arith.constant 32 : index
      %swap3A_153 = tpu.vector_load %arg9[%swap3A_152] {strides = array<i32>} : memref<80xi32, #tpu.memory_space<vmem>>, vector<16xi32>,
      %swap3A_154 = vector.shape_cast %swap3A_153 : vector<16xi32> to vector<16xi32>
      %swap3A_155 = vector.shape_cast %and3A_151 : vector<16xi32> to vector<16xi32>
      tpu.vector_store %arg9[%swap3A_152], %swap3A_155 {strides = array<i32>} : memref<80xi32, #tpu.memory_space<vmem>>, vector<16xi32>,
      %shift_right_arithmetic3A_156 = arith.constant 16 : i32
      %shift_right_arithmetic3A_157 = vector.broadcast %shift_right_arithmetic3A_156 : i32 to vector<16xi32>
      %shift_right_arithmetic3A_158 = arith.shrsi %get3A_148, %shift_right_arithmetic3A_157 : vector<16xi32>
      %swap3A_159 = arith.constant 32 : index
      %swap3A_160 = tpu.vector_load %arg10[%swap3A_159] {strides = array<i32>} : memref<80xi32, #tpu.memory_space<vmem>>, vector<16xi32>,
      %swap3A_161 = vector.shape_cast %swap3A_160 : vector<16xi32> to vector<16xi32>
      %swap3A_162 = vector.shape_cast %shift_right_arithmetic3A_158 : vector<16xi32> to vector<16xi32>
      tpu.vector_store %arg10[%swap3A_159], %swap3A_162 {strides = array<i32>} : memref<80xi32, #tpu.memory_space<vmem>>, vector<16xi32>,
      %get3A_163 = arith.index_cast %add3A_108 : i32 to index
      %get3A_164 = arith.constant 48 : index
      %get3A_165 = tpu.vector_load %arg6[%get3A_163, %get3A_164] {strides = array<i32>} : memref<125x80xi32, #tpu.memory_space<vmem>>, vector<1x16xi32>,
      %get3A_166 = vector.shape_cast %get3A_165 : vector<1x16xi32> to vector<16xi32>
      %and3A_167 = arith.constant 65535 : i32
      %and3A_168 = vector.broadcast %and3A_167 : i32 to vector<16xi32>
      %and3A_169 = arith.andi %get3A_166, %and3A_168 : vector<16xi32>
      %swap3A_170 = arith.constant 48 : index
      %swap3A_171 = tpu.vector_load %arg9[%swap3A_170] {strides = array<i32>} : memref<80xi32, #tpu.memory_space<vmem>>, vector<16xi32>,
      %swap3A_172 = vector.shape_cast %swap3A_171 : vector<16xi32> to vector<16xi32>
      %swap3A_173 = vector.shape_cast %and3A_169 : vector<16xi32> to vector<16xi32>
      tpu.vector_store %arg9[%swap3A_170], %swap3A_173 {strides = array<i32>} : memref<80xi32, #tpu.memory_space<vmem>>, vector<16xi32>,
      %shift_right_arithmetic3A_174 = arith.constant 16 : i32
      %shift_right_arithmetic3A_175 = vector.broadcast %shift_right_arithmetic3A_174 : i32 to vector<16xi32>
      %shift_right_arithmetic3A_176 = arith.shrsi %get3A_166, %shift_right_arithmetic3A_175 : vector<16xi32>
      %swap3A_177 = arith.constant 48 : index
      %swap3A_178 = tpu.vector_load %arg10[%swap3A_177] {strides = array<i32>} : memref<80xi32, #tpu.memory_space<vmem>>, vector<16xi32>,
      %swap3A_179 = vector.shape_cast %swap3A_178 : vector<16xi32> to vector<16xi32>
      %swap3A_180 = vector.shape_cast %shift_right_arithmetic3A_176 : vector<16xi32> to vector<16xi32>
      tpu.vector_store %arg10[%swap3A_177], %swap3A_180 {strides = array<i32>} : memref<80xi32, #tpu.memory_space<vmem>>, vector<16xi32>,
      %get3A_181 = arith.index_cast %add3A_108 : i32 to index
      %get3A_182 = arith.constant 64 : index
      %get3A_183 = tpu.vector_load %arg6[%get3A_181, %get3A_182] {strides = array<i32>} : memref<125x80xi32, #tpu.memory_space<vmem>>, vector<1x16xi32>,
      %get3A_184 = vector.shape_cast %get3A_183 : vector<1x16xi32> to vector<16xi32>
      %and3A_185 = arith.constant 65535 : i32
      %and3A_186 = vector.broadcast %and3A_185 : i32 to vector<16xi32>
      %and3A_187 = arith.andi %get3A_184, %and3A_186 : vector<16xi32>
      %swap3A_188 = arith.constant 64 : index
      %swap3A_189 = tpu.vector_load %arg9[%swap3A_188] {strides = array<i32>} : memref<80xi32, #tpu.memory_space<vmem>>, vector<16xi32>,
      %swap3A_190 = vector.shape_cast %swap3A_189 : vector<16xi32> to vector<16xi32>
      %swap3A_191 = vector.shape_cast %and3A_187 : vector<16xi32> to vector<16xi32>
      tpu.vector_store %arg9[%swap3A_188], %swap3A_191 {strides = array<i32>} : memref<80xi32, #tpu.memory_space<vmem>>, vector<16xi32>,
      %shift_right_arithmetic3A_192 = arith.constant 16 : i32
      %shift_right_arithmetic3A_193 = vector.broadcast %shift_right_arithmetic3A_192 : i32 to vector<16xi32>
      %shift_right_arithmetic3A_194 = arith.shrsi %get3A_184, %shift_right_arithmetic3A_193 : vector<16xi32>
      %swap3A_195 = arith.constant 64 : index
      %swap3A_196 = tpu.vector_load %arg10[%swap3A_195] {strides = array<i32>} : memref<80xi32, #tpu.memory_space<vmem>>, vector<16xi32>,
      %swap3A_197 = vector.shape_cast %swap3A_196 : vector<16xi32> to vector<16xi32>
      %swap3A_198 = vector.shape_cast %shift_right_arithmetic3A_194 : vector<16xi32> to vector<16xi32>
      tpu.vector_store %arg10[%swap3A_195], %swap3A_198 {strides = array<i32>} : memref<80xi32, #tpu.memory_space<vmem>>, vector<16xi32>,
      %dma_start3A_199 = arith.constant 0 : i32
      %dma_start3A_200 = arith.constant 0 : i32
      %dma_start3A_201 = tpu.memref_slice %arg2[%dma_start3A_199, %dma_start3A_200] : memref<10000x128xf32, #tpu.memory_space<hbm>> -> memref<10000x128xf32, #tpu.memory_space<hbm>>
      tpu.enqueue_indirect_dma source(%dma_start3A_201 : memref<10000x128xf32, #tpu.memory_space<hbm>>) target(%arg12 : memref<80x128xf32, #tpu.memory_space<vmem>>) offsets(%arg9 : memref<80xi32, #tpu.memory_space<vmem>>) semaphore(%arg15 : memref<!tpu.dma_semaphore, #tpu.memory_space<semaphore_mem>>)
      %dma_wait3A_202 = arith.constant 0 : i32
      %dma_wait3A_203 = arith.constant 0 : i32
      %dma_wait3A_204 = tpu.memref_slice %arg2[%dma_wait3A_202, %dma_wait3A_203] : memref<10000x128xf32, #tpu.memory_space<hbm>> -> memref<10000x128xf32, #tpu.memory_space<hbm>>
      tpu.wait_indirect_dma semaphore(%arg14 : memref<!tpu.dma_semaphore, #tpu.memory_space<semaphore_mem>>) src(%dma_wait3A_204 : memref<10000x128xf32, #tpu.memory_space<hbm>>) dst(%arg11 : memref<80x128xf32, #tpu.memory_space<vmem>>)
      "tpu.region"() ({
        %run_scoped3A = tpu.sem_alloc : memref<!tpu.dma_semaphore, #tpu.memory_space<semaphore_mem>>
        %dma_start3A_303 = arith.constant 0 : i32
        %dma_start3A_304 = arith.constant 0 : i32
        %dma_start3A_305 = tpu.memref_slice %arg13[%dma_start3A_303, %dma_start3A_304] : memref<10112x128xf32, #tpu.memory_space<vmem_shared>> -> memref<10112x128xf32, #tpu.memory_space<vmem_shared>>
        tpu.enqueue_indirect_dma source(%arg11 : memref<80x128xf32, #tpu.memory_space<vmem>>) target(%dma_start3A_305 : memref<10112x128xf32, #tpu.memory_space<vmem_shared>>) offsets(%arg8 : memref<80xi32, #tpu.memory_space<vmem>>) semaphore(%run_scoped3A : memref<!tpu.dma_semaphore, #tpu.memory_space<semaphore_mem>>) {add = true}
        %dma_wait3A_306 = arith.constant 0 : i32
        %dma_wait3A_307 = arith.constant 0 : i32
        %dma_wait3A_308 = tpu.memref_slice %arg13[%dma_wait3A_306, %dma_wait3A_307] : memref<10112x128xf32, #tpu.memory_space<vmem_shared>> -> memref<10112x128xf32, #tpu.memory_space<vmem_shared>>
        tpu.wait_indirect_dma semaphore(%run_scoped3A : memref<!tpu.dma_semaphore, #tpu.memory_space<semaphore_mem>>) src(%arg11 : memref<80x128xf32, #tpu.memory_space<vmem>>) dst(%dma_wait3A_308 : memref<10112x128xf32, #tpu.memory_space<vmem_shared>>)
        tpu.yield
      }) : () -> ()
      %add3A_205 = arith.constant 2 : i32
      %add3A_206 = arith.addi %mul3A_106, %add3A_205 : i32
      %get3A_207 = arith.index_cast %add3A_206 : i32 to index
      %get3A_208 = arith.constant 0 : index
      %get3A_209 = tpu.vector_load %arg6[%get3A_207, %get3A_208] {strides = array<i32>} : memref<125x80xi32, #tpu.memory_space<vmem>>, vector<1x16xi32>,
      %get3A_210 = vector.shape_cast %get3A_209 : vector<1x16xi32> to vector<16xi32>
      %and3A_211 = arith.constant 65535 : i32
      %and3A_212 = vector.broadcast %and3A_211 : i32 to vector<16xi32>
      %and3A_213 = arith.andi %get3A_210, %and3A_212 : vector<16xi32>
      %swap3A_214 = arith.constant 0 : index
      %swap3A_215 = tpu.vector_load %arg7[%swap3A_214] {strides = array<i32>} : memref<80xi32, #tpu.memory_space<vmem>>, vector<16xi32>,
      %swap3A_216 = vector.shape_cast %swap3A_215 : vector<16xi32> to vector<16xi32>
      %swap3A_217 = vector.shape_cast %and3A_213 : vector<16xi32> to vector<16xi32>
      tpu.vector_store %arg7[%swap3A_214], %swap3A_217 {strides = array<i32>} : memref<80xi32, #tpu.memory_space<vmem>>, vector<16xi32>,
      %shift_right_arithmetic3A_218 = arith.constant 16 : i32
      %shift_right_arithmetic3A_219 = vector.broadcast %shift_right_arithmetic3A_218 : i32 to vector<16xi32>
      %shift_right_arithmetic3A_220 = arith.shrsi %get3A_210, %shift_right_arithmetic3A_219 : vector<16xi32>
      %swap3A_221 = arith.constant 0 : index
      %swap3A_222 = tpu.vector_load %arg8[%swap3A_221] {strides = array<i32>} : memref<80xi32, #tpu.memory_space<vmem>>, vector<16xi32>,
      %swap3A_223 = vector.shape_cast %swap3A_222 : vector<16xi32> to vector<16xi32>
      %swap3A_224 = vector.shape_cast %shift_right_arithmetic3A_220 : vector<16xi32> to vector<16xi32>
      tpu.vector_store %arg8[%swap3A_221], %swap3A_224 {strides = array<i32>} : memref<80xi32, #tpu.memory_space<vmem>>, vector<16xi32>,
      %get3A_225 = arith.index_cast %add3A_206 : i32 to index
      %get3A_226 = arith.constant 16 : index
      %get3A_227 = tpu.vector_load %arg6[%get3A_225, %get3A_226] {strides = array<i32>} : memref<125x80xi32, #tpu.memory_space<vmem>>, vector<1x16xi32>,
      %get3A_228 = vector.shape_cast %get3A_227 : vector<1x16xi32> to vector<16xi32>
      %and3A_229 = arith.constant 65535 : i32
      %and3A_230 = vector.broadcast %and3A_229 : i32 to vector<16xi32>
      %and3A_231 = arith.andi %get3A_228, %and3A_230 : vector<16xi32>
      %swap3A_232 = arith.constant 16 : index
      %swap3A_233 = tpu.vector_load %arg7[%swap3A_232] {strides = array<i32>} : memref<80xi32, #tpu.memory_space<vmem>>, vector<16xi32>,
      %swap3A_234 = vector.shape_cast %swap3A_233 : vector<16xi32> to vector<16xi32>
      %swap3A_235 = vector.shape_cast %and3A_231 : vector<16xi32> to vector<16xi32>
      tpu.vector_store %arg7[%swap3A_232], %swap3A_235 {strides = array<i32>} : memref<80xi32, #tpu.memory_space<vmem>>, vector<16xi32>,
      %shift_right_arithmetic3A_236 = arith.constant 16 : i32
      %shift_right_arithmetic3A_237 = vector.broadcast %shift_right_arithmetic3A_236 : i32 to vector<16xi32>
      %shift_right_arithmetic3A_238 = arith.shrsi %get3A_228, %shift_right_arithmetic3A_237 : vector<16xi32>
      %swap3A_239 = arith.constant 16 : index
      %swap3A_240 = tpu.vector_load %arg8[%swap3A_239] {strides = array<i32>} : memref<80xi32, #tpu.memory_space<vmem>>, vector<16xi32>,
      %swap3A_241 = vector.shape_cast %swap3A_240 : vector<16xi32> to vector<16xi32>
      %swap3A_242 = vector.shape_cast %shift_right_arithmetic3A_238 : vector<16xi32> to vector<16xi32>
      tpu.vector_store %arg8[%swap3A_239], %swap3A_242 {strides = array<i32>} : memref<80xi32, #tpu.memory_space<vmem>>, vector<16xi32>,
      %get3A_243 = arith.index_cast %add3A_206 : i32 to index
      %get3A_244 = arith.constant 32 : index
      %get3A_245 = tpu.vector_load %arg6[%get3A_243, %get3A_244] {strides = array<i32>} : memref<125x80xi32, #tpu.memory_space<vmem>>, vector<1x16xi32>,
      %get3A_246 = vector.shape_cast %get3A_245 : vector<1x16xi32> to vector<16xi32>
      %and3A_247 = arith.constant 65535 : i32
      %and3A_248 = vector.broadcast %and3A_247 : i32 to vector<16xi32>
      %and3A_249 = arith.andi %get3A_246, %and3A_248 : vector<16xi32>
      %swap3A_250 = arith.constant 32 : index
      %swap3A_251 = tpu.vector_load %arg7[%swap3A_250] {strides = array<i32>} : memref<80xi32, #tpu.memory_space<vmem>>, vector<16xi32>,
      %swap3A_252 = vector.shape_cast %swap3A_251 : vector<16xi32> to vector<16xi32>
      %swap3A_253 = vector.shape_cast %and3A_249 : vector<16xi32> to vector<16xi32>
      tpu.vector_store %arg7[%swap3A_250], %swap3A_253 {strides = array<i32>} : memref<80xi32, #tpu.memory_space<vmem>>, vector<16xi32>,
      %shift_right_arithmetic3A_254 = arith.constant 16 : i32
      %shift_right_arithmetic3A_255 = vector.broadcast %shift_right_arithmetic3A_254 : i32 to vector<16xi32>
      %shift_right_arithmetic3A_256 = arith.shrsi %get3A_246, %shift_right_arithmetic3A_255 : vector<16xi32>
      %swap3A_257 = arith.constant 32 : index
      %swap3A_258 = tpu.vector_load %arg8[%swap3A_257] {strides = array<i32>} : memref<80xi32, #tpu.memory_space<vmem>>, vector<16xi32>,
      %swap3A_259 = vector.shape_cast %swap3A_258 : vector<16xi32> to vector<16xi32>
      %swap3A_260 = vector.shape_cast %shift_right_arithmetic3A_256 : vector<16xi32> to vector<16xi32>
      tpu.vector_store %arg8[%swap3A_257], %swap3A_260 {strides = array<i32>} : memref<80xi32, #tpu.memory_space<vmem>>, vector<16xi32>,
      %get3A_261 = arith.index_cast %add3A_206 : i32 to index
      %get3A_262 = arith.constant 48 : index
      %get3A_263 = tpu.vector_load %arg6[%get3A_261, %get3A_262] {strides = array<i32>} : memref<125x80xi32, #tpu.memory_space<vmem>>, vector<1x16xi32>,
      %get3A_264 = vector.shape_cast %get3A_263 : vector<1x16xi32> to vector<16xi32>
      %and3A_265 = arith.constant 65535 : i32
      %and3A_266 = vector.broadcast %and3A_265 : i32 to vector<16xi32>
      %and3A_267 = arith.andi %get3A_264, %and3A_266 : vector<16xi32>
      %swap3A_268 = arith.constant 48 : index
      %swap3A_269 = tpu.vector_load %arg7[%swap3A_268] {strides = array<i32>} : memref<80xi32, #tpu.memory_space<vmem>>, vector<16xi32>,
      %swap3A_270 = vector.shape_cast %swap3A_269 : vector<16xi32> to vector<16xi32>
      %swap3A_271 = vector.shape_cast %and3A_267 : vector<16xi32> to vector<16xi32>
      tpu.vector_store %arg7[%swap3A_268], %swap3A_271 {strides = array<i32>} : memref<80xi32, #tpu.memory_space<vmem>>, vector<16xi32>,
      %shift_right_arithmetic3A_272 = arith.constant 16 : i32
      %shift_right_arithmetic3A_273 = vector.broadcast %shift_right_arithmetic3A_272 : i32 to vector<16xi32>
      %shift_right_arithmetic3A_274 = arith.shrsi %get3A_264, %shift_right_arithmetic3A_273 : vector<16xi32>
      %swap3A_275 = arith.constant 48 : index
      %swap3A_276 = tpu.vector_load %arg8[%swap3A_275] {strides = array<i32>} : memref<80xi32, #tpu.memory_space<vmem>>, vector<16xi32>,
      %swap3A_277 = vector.shape_cast %swap3A_276 : vector<16xi32> to vector<16xi32>
      %swap3A_278 = vector.shape_cast %shift_right_arithmetic3A_274 : vector<16xi32> to vector<16xi32>
      tpu.vector_store %arg8[%swap3A_275], %swap3A_278 {strides = array<i32>} : memref<80xi32, #tpu.memory_space<vmem>>, vector<16xi32>,
      %get3A_279 = arith.index_cast %add3A_206 : i32 to index
      %get3A_280 = arith.constant 64 : index
      %get3A_281 = tpu.vector_load %arg6[%get3A_279, %get3A_280] {strides = array<i32>} : memref<125x80xi32, #tpu.memory_space<vmem>>, vector<1x16xi32>,
      %get3A_282 = vector.shape_cast %get3A_281 : vector<1x16xi32> to vector<16xi32>
      %and3A_283 = arith.constant 65535 : i32
      %and3A_284 = vector.broadcast %and3A_283 : i32 to vector<16xi32>
      %and3A_285 = arith.andi %get3A_282, %and3A_284 : vector<16xi32>
      %swap3A_286 = arith.constant 64 : index
      %swap3A_287 = tpu.vector_load %arg7[%swap3A_286] {strides = array<i32>} : memref<80xi32, #tpu.memory_space<vmem>>, vector<16xi32>,
      %swap3A_288 = vector.shape_cast %swap3A_287 : vector<16xi32> to vector<16xi32>
      %swap3A_289 = vector.shape_cast %and3A_285 : vector<16xi32> to vector<16xi32>
      tpu.vector_store %arg7[%swap3A_286], %swap3A_289 {strides = array<i32>} : memref<80xi32, #tpu.memory_space<vmem>>, vector<16xi32>,
      %shift_right_arithmetic3A_290 = arith.constant 16 : i32
      %shift_right_arithmetic3A_291 = vector.broadcast %shift_right_arithmetic3A_290 : i32 to vector<16xi32>
      %shift_right_arithmetic3A_292 = arith.shrsi %get3A_282, %shift_right_arithmetic3A_291 : vector<16xi32>
      %swap3A_293 = arith.constant 64 : index
      %swap3A_294 = tpu.vector_load %arg8[%swap3A_293] {strides = array<i32>} : memref<80xi32, #tpu.memory_space<vmem>>, vector<16xi32>,
      %swap3A_295 = vector.shape_cast %swap3A_294 : vector<16xi32> to vector<16xi32>
      %swap3A_296 = vector.shape_cast %shift_right_arithmetic3A_292 : vector<16xi32> to vector<16xi32>
      tpu.vector_store %arg8[%swap3A_293], %swap3A_296 {strides = array<i32>} : memref<80xi32, #tpu.memory_space<vmem>>, vector<16xi32>,
      %dma_start3A_297 = arith.constant 0 : i32
      %dma_start3A_298 = arith.constant 0 : i32
      %dma_start3A_299 = tpu.memref_slice %arg2[%dma_start3A_297, %dma_start3A_298] : memref<10000x128xf32, #tpu.memory_space<hbm>> -> memref<10000x128xf32, #tpu.memory_space<hbm>>
      tpu.enqueue_indirect_dma source(%dma_start3A_299 : memref<10000x128xf32, #tpu.memory_space<hbm>>) target(%arg11 : memref<80x128xf32, #tpu.memory_space<vmem>>) offsets(%arg7 : memref<80xi32, #tpu.memory_space<vmem>>) semaphore(%arg14 : memref<!tpu.dma_semaphore, #tpu.memory_space<semaphore_mem>>)
      %dma_wait3A_300 = arith.constant 0 : i32
      %dma_wait3A_301 = arith.constant 0 : i32
      %dma_wait3A_302 = tpu.memref_slice %arg2[%dma_wait3A_300, %dma_wait3A_301] : memref<10000x128xf32, #tpu.memory_space<hbm>> -> memref<10000x128xf32, #tpu.memory_space<hbm>>
      tpu.wait_indirect_dma semaphore(%arg15 : memref<!tpu.dma_semaphore, #tpu.memory_space<semaphore_mem>>) src(%dma_wait3A_302 : memref<10000x128xf32, #tpu.memory_space<hbm>>) dst(%arg12 : memref<80x128xf32, #tpu.memory_space<vmem>>)
      "tpu.region"() ({
        %run_scoped3A = tpu.sem_alloc : memref<!tpu.dma_semaphore, #tpu.memory_space<semaphore_mem>>
        %dma_start3A_303 = arith.constant 0 : i32
        %dma_start3A_304 = arith.constant 0 : i32
        %dma_start3A_305 = tpu.memref_slice %arg13[%dma_start3A_303, %dma_start3A_304] : memref<10112x128xf32, #tpu.memory_space<vmem_shared>> -> memref<10112x128xf32, #tpu.memory_space<vmem_shared>>
        tpu.enqueue_indirect_dma source(%arg12 : memref<80x128xf32, #tpu.memory_space<vmem>>) target(%dma_start3A_305 : memref<10112x128xf32, #tpu.memory_space<vmem_shared>>) offsets(%arg10 : memref<80xi32, #tpu.memory_space<vmem>>) semaphore(%run_scoped3A : memref<!tpu.dma_semaphore, #tpu.memory_space<semaphore_mem>>) {add = true}
        %dma_wait3A_306 = arith.constant 0 : i32
        %dma_wait3A_307 = arith.constant 0 : i32
        %dma_wait3A_308 = tpu.memref_slice %arg13[%dma_wait3A_306, %dma_wait3A_307] : memref<10112x128xf32, #tpu.memory_space<vmem_shared>> -> memref<10112x128xf32, #tpu.memory_space<vmem_shared>>
        tpu.wait_indirect_dma semaphore(%run_scoped3A : memref<!tpu.dma_semaphore, #tpu.memory_space<semaphore_mem>>) src(%arg12 : memref<80x128xf32, #tpu.memory_space<vmem>>) dst(%dma_wait3A_308 : memref<10112x128xf32, #tpu.memory_space<vmem_shared>>)
        tpu.yield
      }) : () -> ()
    }
    %scan3A_100 = arith.constant 62 : i32
    %dma_wait3A = arith.constant 0 : i32
    %dma_wait3A_101 = arith.constant 0 : i32
    %dma_wait3A_102 = tpu.memref_slice %arg2[%dma_wait3A, %dma_wait3A_101] : memref<10000x128xf32, #tpu.memory_space<hbm>> -> memref<10000x128xf32, #tpu.memory_space<hbm>>
    tpu.wait_indirect_dma semaphore(%arg14 : memref<!tpu.dma_semaphore, #tpu.memory_space<semaphore_mem>>) src(%dma_wait3A_102 : memref<10000x128xf32, #tpu.memory_space<hbm>>) dst(%arg11 : memref<80x128xf32, #tpu.memory_space<vmem>>)
    "tpu.region"() ({
      %run_scoped3A = tpu.sem_alloc : memref<!tpu.dma_semaphore, #tpu.memory_space<semaphore_mem>>
      %dma_start3A_104 = arith.constant 0 : i32
      %dma_start3A_105 = arith.constant 0 : i32
      %dma_start3A_106 = tpu.memref_slice %arg13[%dma_start3A_104, %dma_start3A_105] : memref<10112x128xf32, #tpu.memory_space<vmem_shared>> -> memref<10112x128xf32, #tpu.memory_space<vmem_shared>>
      tpu.enqueue_indirect_dma source(%arg11 : memref<80x128xf32, #tpu.memory_space<vmem>>) target(%dma_start3A_106 : memref<10112x128xf32, #tpu.memory_space<vmem_shared>>) offsets(%arg8 : memref<80xi32, #tpu.memory_space<vmem>>) semaphore(%run_scoped3A : memref<!tpu.dma_semaphore, #tpu.memory_space<semaphore_mem>>) {add = true}
      %dma_wait3A_107 = arith.constant 0 : i32
      %dma_wait3A_108 = arith.constant 0 : i32
      %dma_wait3A_109 = tpu.memref_slice %arg13[%dma_wait3A_107, %dma_wait3A_108] : memref<10112x128xf32, #tpu.memory_space<vmem_shared>> -> memref<10112x128xf32, #tpu.memory_space<vmem_shared>>
      tpu.wait_indirect_dma semaphore(%run_scoped3A : memref<!tpu.dma_semaphore, #tpu.memory_space<semaphore_mem>>) src(%arg11 : memref<80x128xf32, #tpu.memory_space<vmem>>) dst(%dma_wait3A_109 : memref<10112x128xf32, #tpu.memory_space<vmem_shared>>)
      tpu.yield
    }) : () -> ()
    %barrier3A_103 = arith.constant 0 : index
    tpu.barrier barrier_id(%barrier3A_103)
    "tpu.region"() ({
      %run_scoped3A = tpu.sem_alloc : memref<!tpu.dma_semaphore, #tpu.memory_space<semaphore_mem>>
      %dma_start3A_104 = arith.constant 0 : i32
      %dma_start3A_105 = tpu.memref_slice %arg5[%arg0, %mul3A_2, %dma_start3A_104] : memref<2x10112x128xf32, #tpu.memory_space<hbm>> -> memref<1x632x128xf32, #tpu.memory_space<hbm>>
      %dma_start3A_106 = tpu.memref_squeeze %dma_start3A_105 : memref<1x632x128xf32, #tpu.memory_space<hbm>> -> memref<632x128xf32, #tpu.memory_space<hbm>>
      %dma_start3A_107 = arith.constant 0 : i32
      %dma_start3A_108 = tpu.memref_slice %arg13[%mul3A_2, %dma_start3A_107] : memref<10112x128xf32, #tpu.memory_space<vmem_shared>> -> memref<632x128xf32, #tpu.memory_space<vmem_shared>>
      tpu.enqueue_dma source(%dma_start3A_108 : memref<632x128xf32, #tpu.memory_space<vmem_shared>>) target(%dma_start3A_106 : memref<632x128xf32, #tpu.memory_space<hbm>>) target_semaphore(%run_scoped3A : memref<!tpu.dma_semaphore, #tpu.memory_space<semaphore_mem>>)
      %dma_wait3A_109 = arith.constant 0 : i32
      %dma_wait3A_110 = tpu.memref_slice %arg5[%arg0, %mul3A_2, %dma_wait3A_109] : memref<2x10112x128xf32, #tpu.memory_space<hbm>> -> memref<1x632x128xf32, #tpu.memory_space<hbm>>
      %dma_wait3A_111 = tpu.memref_squeeze %dma_wait3A_110 : memref<1x632x128xf32, #tpu.memory_space<hbm>> -> memref<632x128xf32, #tpu.memory_space<hbm>>
      %dma_wait3A_112 = arith.constant 0 : i32
      %dma_wait3A_113 = tpu.memref_slice %arg13[%mul3A_2, %dma_wait3A_112] : memref<10112x128xf32, #tpu.memory_space<vmem_shared>> -> memref<632x128xf32, #tpu.memory_space<vmem_shared>>
      tpu.wait_dma2 semaphore(%run_scoped3A : memref<!tpu.dma_semaphore, #tpu.memory_space<semaphore_mem>>) src(%dma_wait3A_113 : memref<632x128xf32, #tpu.memory_space<vmem_shared>>) dst(%dma_wait3A_111 : memref<632x128xf32, #tpu.memory_space<hbm>>)
      tpu.yield
    }) : () -> ()
    return
  }
}

module attributes {stable_mosaic.version = 14 : i64} {
  func.func @_relu_body(%arg0: memref<10000x128xf32, #tpu.memory_space<vmem>>, %arg1: memref<10000x128xf32, #tpu.memory_space<vmem>>) attributes {dimension_semantics = [], scalar_prefetch = 0 : i64, scratch_operands = 0 : i64, tpu.core_type = #tpu.core_type<tc>} {
    %get3A = arith.constant 0 : index
    %get3A_0 = arith.constant 0 : index
    %get3A_1 = vector.load %arg0[%get3A, %get3A_0] : memref<10000x128xf32, #tpu.memory_space<vmem>>, vector<10000x128xf32>
    %max3A = arith.constant 0.000000e+00 : f32
    %max3A_2 = vector.broadcast %max3A : f32 to vector<10000x128xf32>
    %max3A_3 = arith.maximumf %get3A_1, %max3A_2 : vector<10000x128xf32>
    %swap3A = arith.constant 0 : index
    %swap3A_4 = arith.constant 0 : index
    %swap3A_5 = vector.load %arg1[%swap3A, %swap3A_4] : memref<10000x128xf32, #tpu.memory_space<vmem>>, vector<10000x128xf32>
    tpu.vector_store %arg1[%swap3A, %swap3A_4], %max3A_3 {strides = array<i32>} : memref<10000x128xf32, #tpu.memory_space<vmem>>, vector<10000x128xf32>,
    return
  }
}

module attributes {stable_mosaic.version = 14 : i64} {
  func.func @_tc_layer_body(%arg0: memref<2x10112x128xf32, #tpu.memory_space<vmem>>, %arg1: memref<2x10112x128xf32, #tpu.memory_space<vmem>>, %arg2: memref<10000x128xf32, #tpu.memory_space<vmem>>, %arg3: memref<128x128xf32, #tpu.memory_space<vmem>>, %arg4: memref<128xf32, #tpu.memory_space<vmem>>, %arg5: memref<128x128xf32, #tpu.memory_space<vmem>>, %arg6: memref<128xf32, #tpu.memory_space<vmem>>, %arg7: memref<128xf32, #tpu.memory_space<vmem>>, %arg8: memref<10000x128xf32, #tpu.memory_space<vmem>>) attributes {dimension_semantics = [], scalar_prefetch = 0 : i64, scratch_operands = 0 : i64, tpu.core_type = #tpu.core_type<tc>} {
    %get3A = arith.constant 0 : index
    %get3A_0 = arith.constant 0 : index
    %get3A_1 = arith.constant 0 : index
    %get3A_2 = vector.load %arg0[%get3A, %get3A_0, %get3A_1] : memref<2x10112x128xf32, #tpu.memory_space<vmem>>, vector<1x10000x128xf32>
    %get3A_3 = vector.shape_cast %get3A_2 : vector<1x10000x128xf32> to vector<10000x128xf32>
    %get3A_4 = arith.constant 1 : index
    %get3A_5 = arith.constant 0 : index
    %get3A_6 = arith.constant 0 : index
    %get3A_7 = vector.load %arg0[%get3A_4, %get3A_5, %get3A_6] : memref<2x10112x128xf32, #tpu.memory_space<vmem>>, vector<1x10000x128xf32>
    %get3A_8 = vector.shape_cast %get3A_7 : vector<1x10000x128xf32> to vector<10000x128xf32>
    %add3A = arith.addf %get3A_3, %get3A_8 : vector<10000x128xf32>
    %get3A_9 = arith.constant 0 : index
    %get3A_10 = arith.constant 0 : index
    %get3A_11 = arith.constant 0 : index
    %get3A_12 = vector.load %arg1[%get3A_9, %get3A_10, %get3A_11] : memref<2x10112x128xf32, #tpu.memory_space<vmem>>, vector<1x10000x128xf32>
    %get3A_13 = vector.shape_cast %get3A_12 : vector<1x10000x128xf32> to vector<10000x128xf32>
    %get3A_14 = arith.constant 1 : index
    %get3A_15 = arith.constant 0 : index
    %get3A_16 = arith.constant 0 : index
    %get3A_17 = vector.load %arg1[%get3A_14, %get3A_15, %get3A_16] : memref<2x10112x128xf32, #tpu.memory_space<vmem>>, vector<1x10000x128xf32>
    %get3A_18 = vector.shape_cast %get3A_17 : vector<1x10000x128xf32> to vector<10000x128xf32>
    %add3A_19 = arith.addf %get3A_13, %get3A_18 : vector<10000x128xf32>
    %slice3A = vector.extract_strided_slice %add3A_19 {offsets = [0, 0], sizes = [10000, 1], strides = [1, 1]} : vector<10000x128xf32> to vector<10000x1xf32>
    %max3A = arith.constant 1.000000e+00 : f32
    %max3A_20 = vector.broadcast %max3A : f32 to vector<10000x1xf32>
    %max3A_21 = arith.maximumf %slice3A, %max3A_20 : vector<10000x1xf32>
    %div3A = arith.constant 1.000000e+00 : f32
    %div3A_22 = vector.broadcast %div3A : f32 to vector<10000x1xf32>
    %div3A_23 = arith.divf %div3A_22, %max3A_21 : vector<10000x1xf32>
    %mul3A = vector.broadcast %div3A_23 : vector<10000x1xf32> to vector<10000x128xf32>
    %mul3A_24 = arith.mulf %add3A, %mul3A : vector<10000x128xf32>
    %get3A_25 = arith.constant 0 : index
    %get3A_26 = arith.constant 0 : index
    %get3A_27 = vector.load %arg3[%get3A_25, %get3A_26] : memref<128x128xf32, #tpu.memory_space<vmem>>, vector<128x128xf32>
    %dot_general3A = arith.constant dense<0.000000e+00> : vector<10000x128xf32>
    %dot_general3A_28 = tpu.matmul %mul3A_24, %get3A_27, %dot_general3A {dimension_numbers = #tpu.dot_dimension_numbers<[1], [0], [0], [1], [0, 0, 1, 1], [], []>, transpose_lhs_hint = false} : vector<10000x128xf32>, vector<128x128xf32>, vector<10000x128xf32> -> vector<10000x128xf32>
    %get3A_29 = arith.constant 0 : index
    %get3A_30 = arith.constant 0 : index
    %get3A_31 = vector.load %arg2[%get3A_29, %get3A_30] : memref<10000x128xf32, #tpu.memory_space<vmem>>, vector<10000x128xf32>
    %get3A_32 = arith.constant 0 : index
    %get3A_33 = arith.constant 0 : index
    %get3A_34 = vector.load %arg5[%get3A_32, %get3A_33] : memref<128x128xf32, #tpu.memory_space<vmem>>, vector<128x128xf32>
    %dot_general3A_35 = arith.constant dense<0.000000e+00> : vector<10000x128xf32>
    %dot_general3A_36 = tpu.matmul %get3A_31, %get3A_34, %dot_general3A_35 {dimension_numbers = #tpu.dot_dimension_numbers<[1], [0], [0], [1], [0, 0, 1, 1], [], []>, transpose_lhs_hint = false} : vector<10000x128xf32>, vector<128x128xf32>, vector<10000x128xf32> -> vector<10000x128xf32>
    %add3A_37 = arith.addf %dot_general3A_28, %dot_general3A_36 : vector<10000x128xf32>
    %get3A_38 = arith.constant 0 : index
    %get3A_39 = vector.load %arg4[%get3A_38] : memref<128xf32, #tpu.memory_space<vmem>>, vector<128xf32>
    %broadcast_in_dim3A = vector.shape_cast %get3A_39 : vector<128xf32> to vector<1x128xf32>
    %add3A_40 = vector.broadcast %broadcast_in_dim3A : vector<1x128xf32> to vector<10000x128xf32>
    %add3A_41 = arith.addf %add3A_37, %add3A_40 : vector<10000x128xf32>
    %reduce_sum3A = arith.constant dense<0.000000e+00> : vector<128xf32>
    %reduce_sum3A_42 = vector.multi_reduction <add>, %add3A_41, %reduce_sum3A [0] : vector<10000x128xf32> to vector<128xf32>
    %div3A_43 = arith.constant 1.000000e+04 : f32
    %div3A_44 = vector.broadcast %div3A_43 : f32 to vector<128xf32>
    %div3A_45 = arith.divf %reduce_sum3A_42, %div3A_44 : vector<128xf32>
    %broadcast_in_dim3A_46 = vector.shape_cast %div3A_45 : vector<128xf32> to vector<1x128xf32>
    %sub3A = vector.broadcast %broadcast_in_dim3A_46 : vector<1x128xf32> to vector<10000x128xf32>
    %sub3A_47 = arith.subf %add3A_41, %sub3A : vector<10000x128xf32>
    %integer_pow3A = arith.mulf %sub3A_47, %sub3A_47 : vector<10000x128xf32>
    %reduce_sum3A_48 = arith.constant dense<0.000000e+00> : vector<128xf32>
    %reduce_sum3A_49 = vector.multi_reduction <add>, %integer_pow3A, %reduce_sum3A_48 [0] : vector<10000x128xf32> to vector<128xf32>
    %div3A_50 = arith.constant 1.000000e+04 : f32
    %div3A_51 = vector.broadcast %div3A_50 : f32 to vector<128xf32>
    %div3A_52 = arith.divf %reduce_sum3A_49, %div3A_51 : vector<128xf32>
    %get3A_53 = arith.constant 0 : index
    %get3A_54 = vector.load %arg6[%get3A_53] : memref<128xf32, #tpu.memory_space<vmem>>, vector<128xf32>
    %broadcast_in_dim3A_55 = vector.shape_cast %get3A_54 : vector<128xf32> to vector<1x128xf32>
    %broadcast_in_dim3A_56 = vector.shape_cast %div3A_45 : vector<128xf32> to vector<1x128xf32>
    %sub3A_57 = vector.broadcast %broadcast_in_dim3A_56 : vector<1x128xf32> to vector<10000x128xf32>
    %sub3A_58 = arith.subf %add3A_41, %sub3A_57 : vector<10000x128xf32>
    %mul3A_59 = vector.broadcast %broadcast_in_dim3A_55 : vector<1x128xf32> to vector<10000x128xf32>
    %mul3A_60 = arith.mulf %mul3A_59, %sub3A_58 : vector<10000x128xf32>
    %add3A_61 = arith.constant 9.99999974E-6 : f32
    %add3A_62 = vector.broadcast %add3A_61 : f32 to vector<128xf32>
    %add3A_63 = arith.addf %div3A_52, %add3A_62 : vector<128xf32>
    %rsqrt3A = math.rsqrt %add3A_63 : vector<128xf32>
    %broadcast_in_dim3A_64 = vector.shape_cast %rsqrt3A : vector<128xf32> to vector<1x128xf32>
    %mul3A_65 = vector.broadcast %broadcast_in_dim3A_64 : vector<1x128xf32> to vector<10000x128xf32>
    %mul3A_66 = arith.mulf %mul3A_60, %mul3A_65 : vector<10000x128xf32>
    %get3A_67 = arith.constant 0 : index
    %get3A_68 = vector.load %arg7[%get3A_67] : memref<128xf32, #tpu.memory_space<vmem>>, vector<128xf32>
    %broadcast_in_dim3A_69 = vector.shape_cast %get3A_68 : vector<128xf32> to vector<1x128xf32>
    %add3A_70 = vector.broadcast %broadcast_in_dim3A_69 : vector<1x128xf32> to vector<10000x128xf32>
    %add3A_71 = arith.addf %mul3A_66, %add3A_70 : vector<10000x128xf32>
    %max3A_72 = arith.constant 0.000000e+00 : f32
    %max3A_73 = vector.broadcast %max3A_72 : f32 to vector<10000x128xf32>
    %max3A_74 = arith.maximumf %add3A_71, %max3A_73 : vector<10000x128xf32>
    %swap3A = arith.constant 0 : index
    %swap3A_75 = arith.constant 0 : index
    %swap3A_76 = vector.load %arg8[%swap3A, %swap3A_75] : memref<10000x128xf32, #tpu.memory_space<vmem>>, vector<10000x128xf32>
    tpu.vector_store %arg8[%swap3A, %swap3A_75], %max3A_74 {strides = array<i32>} : memref<10000x128xf32, #tpu.memory_space<vmem>>, vector<10000x128xf32>,
    return
  }
}

module attributes {stable_mosaic.version = 14 : i64} {
  func.func @_tc_layer_body(%arg0: memref<2x10112x128xf32, #tpu.memory_space<vmem>>, %arg1: memref<2x10112x128xf32, #tpu.memory_space<vmem>>, %arg2: memref<10000x128xf32, #tpu.memory_space<vmem>>, %arg3: memref<128x128xf32, #tpu.memory_space<vmem>>, %arg4: memref<128xf32, #tpu.memory_space<vmem>>, %arg5: memref<128x128xf32, #tpu.memory_space<vmem>>, %arg6: memref<128xf32, #tpu.memory_space<vmem>>, %arg7: memref<128xf32, #tpu.memory_space<vmem>>, %arg8: memref<10000x128xf32, #tpu.memory_space<vmem>>) attributes {dimension_semantics = [], scalar_prefetch = 0 : i64, scratch_operands = 0 : i64, tpu.core_type = #tpu.core_type<tc>} {
    %get3A = arith.constant 0 : index
    %get3A_0 = arith.constant 0 : index
    %get3A_1 = arith.constant 0 : index
    %get3A_2 = vector.load %arg0[%get3A, %get3A_0, %get3A_1] : memref<2x10112x128xf32, #tpu.memory_space<vmem>>, vector<1x10000x128xf32>
    %get3A_3 = vector.shape_cast %get3A_2 : vector<1x10000x128xf32> to vector<10000x128xf32>
    %get3A_4 = arith.constant 1 : index
    %get3A_5 = arith.constant 0 : index
    %get3A_6 = arith.constant 0 : index
    %get3A_7 = vector.load %arg0[%get3A_4, %get3A_5, %get3A_6] : memref<2x10112x128xf32, #tpu.memory_space<vmem>>, vector<1x10000x128xf32>
    %get3A_8 = vector.shape_cast %get3A_7 : vector<1x10000x128xf32> to vector<10000x128xf32>
    %add3A = arith.addf %get3A_3, %get3A_8 : vector<10000x128xf32>
    %get3A_9 = arith.constant 0 : index
    %get3A_10 = arith.constant 0 : index
    %get3A_11 = arith.constant 0 : index
    %get3A_12 = vector.load %arg1[%get3A_9, %get3A_10, %get3A_11] : memref<2x10112x128xf32, #tpu.memory_space<vmem>>, vector<1x10000x128xf32>
    %get3A_13 = vector.shape_cast %get3A_12 : vector<1x10000x128xf32> to vector<10000x128xf32>
    %get3A_14 = arith.constant 1 : index
    %get3A_15 = arith.constant 0 : index
    %get3A_16 = arith.constant 0 : index
    %get3A_17 = vector.load %arg1[%get3A_14, %get3A_15, %get3A_16] : memref<2x10112x128xf32, #tpu.memory_space<vmem>>, vector<1x10000x128xf32>
    %get3A_18 = vector.shape_cast %get3A_17 : vector<1x10000x128xf32> to vector<10000x128xf32>
    %add3A_19 = arith.addf %get3A_13, %get3A_18 : vector<10000x128xf32>
    %slice3A = vector.extract_strided_slice %add3A_19 {offsets = [0, 0], sizes = [10000, 1], strides = [1, 1]} : vector<10000x128xf32> to vector<10000x1xf32>
    %max3A = arith.constant 1.000000e+00 : f32
    %max3A_20 = vector.broadcast %max3A : f32 to vector<10000x1xf32>
    %max3A_21 = arith.maximumf %slice3A, %max3A_20 : vector<10000x1xf32>
    %div3A = arith.constant 1.000000e+00 : f32
    %div3A_22 = vector.broadcast %div3A : f32 to vector<10000x1xf32>
    %div3A_23 = arith.divf %div3A_22, %max3A_21 : vector<10000x1xf32>
    %mul3A = vector.broadcast %div3A_23 : vector<10000x1xf32> to vector<10000x128xf32>
    %mul3A_24 = arith.mulf %add3A, %mul3A : vector<10000x128xf32>
    %get3A_25 = arith.constant 0 : index
    %get3A_26 = arith.constant 0 : index
    %get3A_27 = vector.load %arg3[%get3A_25, %get3A_26] : memref<128x128xf32, #tpu.memory_space<vmem>>, vector<128x128xf32>
    %dot_general3A = arith.constant dense<0.000000e+00> : vector<10000x128xf32>
    %dot_general3A_28 = tpu.matmul %mul3A_24, %get3A_27, %dot_general3A {dimension_numbers = #tpu.dot_dimension_numbers<[1], [0], [0], [1], [0, 0, 1, 1], [], []>, transpose_lhs_hint = false} : vector<10000x128xf32>, vector<128x128xf32>, vector<10000x128xf32> -> vector<10000x128xf32>
    %get3A_29 = arith.constant 0 : index
    %get3A_30 = arith.constant 0 : index
    %get3A_31 = vector.load %arg2[%get3A_29, %get3A_30] : memref<10000x128xf32, #tpu.memory_space<vmem>>, vector<10000x128xf32>
    %get3A_32 = arith.constant 0 : index
    %get3A_33 = arith.constant 0 : index
    %get3A_34 = vector.load %arg5[%get3A_32, %get3A_33] : memref<128x128xf32, #tpu.memory_space<vmem>>, vector<128x128xf32>
    %dot_general3A_35 = arith.constant dense<0.000000e+00> : vector<10000x128xf32>
    %dot_general3A_36 = tpu.matmul %get3A_31, %get3A_34, %dot_general3A_35 {dimension_numbers = #tpu.dot_dimension_numbers<[1], [0], [0], [1], [0, 0, 1, 1], [], []>, transpose_lhs_hint = false} : vector<10000x128xf32>, vector<128x128xf32>, vector<10000x128xf32> -> vector<10000x128xf32>
    %add3A_37 = arith.addf %dot_general3A_28, %dot_general3A_36 : vector<10000x128xf32>
    %get3A_38 = arith.constant 0 : index
    %get3A_39 = vector.load %arg4[%get3A_38] : memref<128xf32, #tpu.memory_space<vmem>>, vector<128xf32>
    %broadcast_in_dim3A = vector.shape_cast %get3A_39 : vector<128xf32> to vector<1x128xf32>
    %add3A_40 = vector.broadcast %broadcast_in_dim3A : vector<1x128xf32> to vector<10000x128xf32>
    %add3A_41 = arith.addf %add3A_37, %add3A_40 : vector<10000x128xf32>
    %reduce_sum3A = arith.constant dense<0.000000e+00> : vector<128xf32>
    %reduce_sum3A_42 = vector.multi_reduction <add>, %add3A_41, %reduce_sum3A [0] : vector<10000x128xf32> to vector<128xf32>
    %div3A_43 = arith.constant 1.000000e+04 : f32
    %div3A_44 = vector.broadcast %div3A_43 : f32 to vector<128xf32>
    %div3A_45 = arith.divf %reduce_sum3A_42, %div3A_44 : vector<128xf32>
    %broadcast_in_dim3A_46 = vector.shape_cast %div3A_45 : vector<128xf32> to vector<1x128xf32>
    %sub3A = vector.broadcast %broadcast_in_dim3A_46 : vector<1x128xf32> to vector<10000x128xf32>
    %sub3A_47 = arith.subf %add3A_41, %sub3A : vector<10000x128xf32>
    %integer_pow3A = arith.mulf %sub3A_47, %sub3A_47 : vector<10000x128xf32>
    %reduce_sum3A_48 = arith.constant dense<0.000000e+00> : vector<128xf32>
    %reduce_sum3A_49 = vector.multi_reduction <add>, %integer_pow3A, %reduce_sum3A_48 [0] : vector<10000x128xf32> to vector<128xf32>
    %div3A_50 = arith.constant 1.000000e+04 : f32
    %div3A_51 = vector.broadcast %div3A_50 : f32 to vector<128xf32>
    %div3A_52 = arith.divf %reduce_sum3A_49, %div3A_51 : vector<128xf32>
    %get3A_53 = arith.constant 0 : index
    %get3A_54 = vector.load %arg6[%get3A_53] : memref<128xf32, #tpu.memory_space<vmem>>, vector<128xf32>
    %broadcast_in_dim3A_55 = vector.shape_cast %get3A_54 : vector<128xf32> to vector<1x128xf32>
    %broadcast_in_dim3A_56 = vector.shape_cast %div3A_45 : vector<128xf32> to vector<1x128xf32>
    %sub3A_57 = vector.broadcast %broadcast_in_dim3A_56 : vector<1x128xf32> to vector<10000x128xf32>
    %sub3A_58 = arith.subf %add3A_41, %sub3A_57 : vector<10000x128xf32>
    %mul3A_59 = vector.broadcast %broadcast_in_dim3A_55 : vector<1x128xf32> to vector<10000x128xf32>
    %mul3A_60 = arith.mulf %mul3A_59, %sub3A_58 : vector<10000x128xf32>
    %add3A_61 = arith.constant 9.99999974E-6 : f32
    %add3A_62 = vector.broadcast %add3A_61 : f32 to vector<128xf32>
    %add3A_63 = arith.addf %div3A_52, %add3A_62 : vector<128xf32>
    %rsqrt3A = math.rsqrt %add3A_63 : vector<128xf32>
    %broadcast_in_dim3A_64 = vector.shape_cast %rsqrt3A : vector<128xf32> to vector<1x128xf32>
    %mul3A_65 = vector.broadcast %broadcast_in_dim3A_64 : vector<1x128xf32> to vector<10000x128xf32>
    %mul3A_66 = arith.mulf %mul3A_60, %mul3A_65 : vector<10000x128xf32>
    %get3A_67 = arith.constant 0 : index
    %get3A_68 = vector.load %arg7[%get3A_67] : memref<128xf32, #tpu.memory_space<vmem>>, vector<128xf32>
    %broadcast_in_dim3A_69 = vector.shape_cast %get3A_68 : vector<128xf32> to vector<1x128xf32>
    %add3A_70 = vector.broadcast %broadcast_in_dim3A_69 : vector<1x128xf32> to vector<10000x128xf32>
    %add3A_71 = arith.addf %mul3A_66, %add3A_70 : vector<10000x128xf32>
    %max3A_72 = arith.constant 0.000000e+00 : f32
    %max3A_73 = vector.broadcast %max3A_72 : f32 to vector<10000x128xf32>
    %max3A_74 = arith.maximumf %add3A_71, %max3A_73 : vector<10000x128xf32>
    %swap3A = arith.constant 0 : index
    %swap3A_75 = arith.constant 0 : index
    %swap3A_76 = vector.load %arg8[%swap3A, %swap3A_75] : memref<10000x128xf32, #tpu.memory_space<vmem>>, vector<10000x128xf32>
    tpu.vector_store %arg8[%swap3A, %swap3A_75], %max3A_74 {strides = array<i32>} : memref<10000x128xf32, #tpu.memory_space<vmem>>, vector<10000x128xf32>,
    return
  }
}

</mosaic_0001>

<sc_bundles>
// kernel: kernel.10.cloned.1.call-start
scs
__scs_entry_jumppad:
0x0: {  	(pc) =	sbr.rel $0x88, $3  }
0x1: {  	(tag) =	ssettag $0x0;
	lr =	simm.s32 $0x1  }
0x2: {  	[smem:$0x3F95] =	sst lr;
	_ =	strace $0xD0000000  }
0x3: {  	_ = 	snop  }
0x4: {  	_ = 	snop  }
0x5: {  	_ = 	snop  }
0x6: {  	_ = 	snop  }
0x7: {  	_ = 	snop  }
__scs_overlays_trampoline_lowered:
0x8: {  	[smem:$0x3FA4] =	sst s0  }
0x9: {  	[smem:$0x3FA5] =	sst s1  }
0xa: {  	[smem:$0x3FA6] =	sst s2  }
0xb: {  	[smem:$0x3FA7] =	sst s3  }
0xc: {  	[smem:$0x3FA8] =	sst s4  }
0xd: {  	[smem:$0x3FA9] =	sst s5  }
0xe: {  	[smem:$0x3FAA] =	sst s6  }
0xf: {  	[smem:$0x3FAB] =	sst s7  }
0x10: {  	[smem:$0x3FAC] =	sst s8  }
0x11: {  	[smem:$0x3FAD] =	sst s9;
	s0 =	simm.s32 @!p0 $0x0  }
0x12: {  	s1 =	sld [smem:$0x3F93];
	s0 =	simm.s32 @p0 $0x1  }
0x13: {  	[smem:$0x3FAE] =	sst s0;
	s0 =	simm.s32 @!p1 $0x0  }
0x14: {  	s2 =	sld [smem:$0x3F92];
	s0 =	simm.s32 @p1 $0x1  }
0x15: {  	[smem:$0x3FAF] =	sst s0;
	s0 =	simm.s32 @!p2 $0x0  }
0x16: {  	s3 =	sld [smem:$0x3FDB];
	s0 =	simm.s32 @p2 $0x1  }
0x17: {  	s4 =	simm.s32 $0x1BF5;
	[smem:$0x3FB1] =	sst s0  }
0x18: {  	s0 =	sld [smem:$0x3F94];
	_ =	swait.ge [sflag:s4], $0x0  }
0x19: {  	s7 =	sld [smem:$0x3F95]  }
0x1a: {  	s8 =	sadd.s32 $0xFFFFE003, lr  }
0x1b: {  	s9 =	sadd.s32 $0xFFFFFEF7, lr;
	s5 =	simm.s32 $0xFFFFFFFF;
	p2 =	slt.u32 s8, $0xFFFFF086  }
0x1c: {  	p1 =	slt.u32 s9, $0xF7A;
	s5 =	simm.s32 @!p2 $0x0  }
0x1d: {  	s5 =	simm.s32 @p1 $0x1;
	p0 =	seq.s32 s7, s2  }
0x1e: {  	s7 =	smul.u32 @!p0 $0xF7A, s2;
	p2 =	seq.s32 @!p0 s5, $0x0  }
0x1f: {  	s9 =	smul.u32 $0xF7A, s1;
	s8 =	simm.s32 @!p0 $0x1BF5;
	p2 =	por !p2, p0  }
0x20: {  	[sflag:s8] =	ssyncset.s32 @!p0 $0xFFFFF086;
	s6 =	sadd.s32 @!p0 s3, s7;
	s7 =	simm.s32 @!p0 $0x108  }
0x21: {  	s3 =	sadd.s32 s3, s9;
	s6 =	sadd.s32 @!p0 $0x88, s6;
	s7 =	simm.s32 @p2 $0x1082  }
0x22: {  	[simem:s7], [sflag:s8] =	dma.local @!p0 [hbm:s6], $0xF7A  }
0x23: {  	s9 =	sor.u32 $0xD0000000, s2;
	s6 =	simm.s32 $0x108;
	_ =	swait.ge @!p0 [sflag:s8], $0x0  }
0x24: {  	s3 =	sadd.s32 $0x88, s3;
	s6 =	simm.s32 @!p1 $0x1082;
	[sflag:s4] =	ssyncset.s32 $0xFFFFF086  }
0x25: {  	[simem:s6], [sflag:s4] =	dma.local [hbm:s3], $0xF7A  }
0x26: {  	[smem:$0x3F95] =	sst s1;
	(tag) =	ssettag s2;
	_ =	strace s9  }
0x27: {  	s1 =	sld [smem:$0x3FA5]  }
0x28: {  	s2 =	sld [smem:$0x3FA6]  }
0x29: {  	s4 =	sld [smem:$0x3FA8]  }
0x2a: {  	p0 =	seq.s32 s5, $0x0;
	s5 =	sld [smem:$0x3FA9]  }
0x2b: {  	s6 =	sld [smem:$0x3FAA]  }
0x2c: {  	s7 =	sld [smem:$0x3FAB]  }
0x2d: {  	s3 =	simm.s32 $0x108;
	s8 =	sld [smem:$0x3FAC]  }
0x2e: {  	s3 =	simm.s32 @!p0 $0x1082;
	s9 =	sld [smem:$0x3FAD]  }
0x2f: {  	lr =	sadd.s32 s0, s3;
	s0 =	sld [smem:$0x3FA4]  }
0x30: {  	s3 =	sld [smem:$0x3FA7]  }
0x31: {  	[smem:$0x3FB0] =	sst s10  }
0x32: {  	s10 =	sld [smem:$0x3FAE];
	_ =	sdelay $0x3  }
0x33: {  	p0 =	seq.s32 s10, $0x1;
	s10 =	sld [smem:$0x3FB0];
	_ =	sdelay $0x3  }
0x34: {  	[smem:$0x3FB0] =	sst s10  }
0x35: {  	s10 =	sld [smem:$0x3FAF];
	_ =	sdelay $0x3  }
0x36: {  	p1 =	seq.s32 s10, $0x1;
	s10 =	sld [smem:$0x3FB0];
	_ =	sdelay $0x3  }
0x37: {  	[smem:$0x3FB0] =	sst s10  }
0x38: {  	s10 =	sld [smem:$0x3FB1]  }
0x39: {  	_ = 	snop;
	(pc) =	sbr.ind lr, $3  }
0x3a: {  	_ = 	snop  }
0x3b: {  	_ = 	snop  }
0x3c: {  	p2 =	seq.s32 s10, $0x1;
	s10 =	sld [smem:$0x3FB0]  }
0x3d: {  	_ =	shalt  }
0x3e: {  	_ =	shalt  }
0x3f: {  	_ =	shalt  }
0x40: {  	_ =	shalt  }
0x41: {  	_ =	shalt  }
0x42: {  	_ =	shalt  }
0x43: {  	_ =	shalt  }
0x44: {  	_ =	shalt  }
0x45: {  	_ =	shalt  }
0x46: {  	_ =	shalt  }
0x47: {  	_ =	shalt  }
0x48: {  	_ =	shalt  }
0x49: {  	_ =	shalt  }
0x4a: {  	_ =	shalt  }
0x4b: {  	_ =	shalt  }
0x4c: {  	_ =	shalt  }
0x4d: {  	_ =	shalt  }
0x4e: {  	_ =	shalt  }
0x4f: {  	_ =	shalt  }
0x50: {  	_ =	shalt  }
0x51: {  	_ =	shalt  }
0x52: {  	_ =	shalt  }
0x53: {  	_ =	shalt  }
0x54: {  	_ =	shalt  }
0x55: {  	_ =	shalt  }
0x56: {  	_ =	shalt  }
0x57: {  	_ =	shalt  }
0x58: {  	_ =	shalt  }
0x59: {  	_ =	shalt  }
0x5a: {  	_ =	shalt  }
0x5b: {  	_ =	shalt  }
0x5c: {  	_ =	shalt  }
0x5d: {  	_ =	shalt  }
0x5e: {  	_ =	shalt  }
0x5f: {  	_ =	shalt  }
0x60: {  	_ =	shalt  }
0x61: {  	_ =	shalt  }
0x62: {  	_ =	shalt  }
0x63: {  	_ =	shalt  }
0x64: {  	_ =	shalt  }
0x65: {  	_ =	shalt  }
0x66: {  	_ =	shalt  }
0x67: {  	_ =	shalt  }
0x68: {  	_ =	shalt  }
0x69: {  	_ =	shalt  }
0x6a: {  	_ =	shalt  }
0x6b: {  	_ =	shalt  }
0x6c: {  	_ =	shalt  }
0x6d: {  	_ =	shalt  }
0x6e: {  	_ =	shalt  }
0x6f: {  	_ =	shalt  }
0x70: {  	_ =	shalt  }
0x71: {  	_ =	shalt  }
0x72: {  	_ =	shalt  }
0x73: {  	_ =	shalt  }
0x74: {  	_ =	shalt  }
0x75: {  	_ =	shalt  }
0x76: {  	_ =	shalt  }
0x77: {  	_ =	shalt  }
0x78: {  	_ =	shalt  }
0x79: {  	_ =	shalt  }
0x7a: {  	_ =	shalt  }
0x7b: {  	_ =	shalt  }
0x7c: {  	_ =	shalt  }
0x7d: {  	_ =	shalt  }
0x7e: {  	_ =	shalt  }
0x7f: {  	_ =	shalt  }
0x80: {  	_ =	shalt  }
0x81: {  	_ =	shalt  }
0x82: {  	_ =	shalt  }
0x83: {  	_ =	shalt  }
0x84: {  	_ =	shalt  }
0x85: {  	_ =	shalt  }
0x86: {  	_ =	shalt  }
0x87: {  	_ =	shalt  }
.Lfunc_end0:
.L_simem_size_0:
called_computation.1_lowered:
.L_overlay_start_0:
0x88: {  	s2 =	sld [smem:$0x3FD9]  }
0x89: {  	s3 =	sld [smem:$0x3FFE];
	_ =	sdelay $0x1  }
0x8a: {  	s1 =	srdreg.scid  }
0x8b: {  	s0 =	sand.u32 $0x1, s1  }
0x8c: {  	s17 =	sshll.u32 s0, $0xA;
	s2 =	sadd.s32 s3, s2  }
0x8d: {  	s2 =	sadd.s32 s2, s17  }
0x8e: {  	[smem:$0x3FBC] =	sst s2  }
0x8f: {  	_ = 	snop  }
0x90: {  	s2 =	sld [smem:$0x3FD0];
	(tm) =	ssettm $0x1  }
0x91: {  	s18 =	sld [smem:$0x3FFB];
	_ =	sdelay $0x3  }
0x92: {  	_ =	strace s18  }
0x93: {  	s3 =	sld [smem:$0x3FFC];
	_ =	sdelay $0x3  }
0x94: {  	_ =	strace s3  }
0x95: {  	s3 =	sld [smem:$0x3FFD];
	_ =	sdelay $0x3  }
0x96: {  	_ =	strace s3  }
0x97: {  	_ =	strace $0x8FFFFFFF  }
0x98: {  	s19 =	sld [smem:$0x3FDB];
	_ =	sdelay $0x1  }
0x99: {  	s4 =	simm.s32 $_scs_section_size  }
0x9a: {  	s5 =	simm.s32 $_size__tile_overlayer_lowered;
	s6 =	simm.s32 $_tile_overlayer_lowered  }
0x9b: {  	s22 =	simm.s32 $0x1BFF;
	s21 =	sshll.u32 s6, $0x1;
	s3 =	sadd.s32 s4, s19  }
0x9c: {  	s7 =	simm.s32 $0x0;
	s20 =	sshll.u32 s5, $0x1;
	s5 =	sadd.s32 s21, s3  }
0x9d: {  	[timem:s7], [sflag:s22] =	dma.local [hbm:s5], s20  }
0x9e: {  	_ =	swait.ge [sflag:s22], s20  }
0x9f: {  	s4 =	ssub.s32 $0x0, s20;
	[sflag:s22] =	ssyncset.done $0x0  }
0xa0: {  	[sflag:s22] =	ssyncadd.s32 s4;
	_ =	sdelay $0x1  }
0xa1: {  	s23 =	simm.s32 $0x1B8B  }
0xa2: {  	_ =	swait.ge [sflag:s23], $0x1  }
0xa3: {  	[sflag:s23] =	ssyncset.done $0x0  }
0xa4: {  	s25 =	simm.s32 $0x1B8E;
	s24 =	sld [smem:$0x3FFE];
	[sflag:s23] =	ssyncadd.s32 $0xFFFFFFFF  }
0xa5: {  	s26 =	simm.s32 $execute0_lowered;
	[smem:$0x3FD2] =	sst s25  }
0xa6: {  	s5 =	sshll.u32 s26, $0x1;
	_ =	strace $0x80000049;
	[dreg:$0x1] =	wrdreg $0xFFFFFFFF  }
0xa7: {  	s28 =	simm.s32 $_size_execute0_lowered;
	s3 =	sadd.s32 s3, s5;
	[dreg:$0x0] =	wrdreg $0x0  }
0xa8: {  	s5 =	sshll.u32 s28, $0x1;
	[dreg:$0x2] =	wrdreg s3  }
0xa9: {  	[dreg:$0x3] =	wrdreg s5  }
0xaa: {  	[dreg:$0x4] =	wrdreg $0xC0  }
0xab: {  	_ =	task [dreg:s7], $0x5FFFF  }
0xac: {  	[dreg:$0x1] =	wrdreg $0xFFFFFFFF  }
0xad: {  	[dreg:$0x0] =	wrdreg $0x60  }
0xae: {  	[dreg:$0x2] =	wrdreg s2  }
0xaf: {  	[dreg:$0x3] =	wrdreg s24  }
0xb0: {  	[dreg:$0x4] =	wrdreg $0x92000  }
0xb1: {  	[dreg:$0x5] =	wrdreg $0x9  }
0xb2: {  	_ =	task.clear_ibuf [dreg:s7], $0x6FFFF;
	_ =	strace $0x90000049  }
0xb3: {  	s29 =	simm.s32 $0x9;
	_ =	strace $0x8000004B  }
0xb4: {  	_ =	swait.ge [sflag:s29], $0x1  }
0xb5: {  	[sflag:s29] =	ssyncadd.s32 $0xFFFFFFFF  }
0xb6: {  	_ =	strace $0x9000004B  }
0xb7: {  	_ =	sfence  }
0xb8: {  	s30 =	sld [smem:$0x0];
	_ =	sdelay $0x2  }
0xb9: {  	s31 =	sshll.u32 s1, $0xD;
	s1 =	sshrl.u32 s1, $0x2  }
0xba: {  	s3 =	sand.u32 $0x4000, s31;
	s1 =	sadd.s32 s1, s30  }
0xbb: {  	s0 =	sor.u32 s3, s0;
	s1 =	sshll.u32 s1, $0x11  }
0xbc: {  	s0 =	sor.u32 s1, s0  }
0xbd: {  	s0 =	sadd.s32 $0x8F2B, s0  }
0xbe: {  	[sflag:s0] =	ssyncadd.remote.s32 $0x1  }
0xbf: {  	_ =	sfence.sel $0xFFFF  }
0xc0: {  	[dreg:$0x0] =	wrdreg $0xFFFFFFFF;
	(pc) =	sbr.abs _section_cstart, $3  }
0xc1: {  	[dreg:$0x1] =	wrdreg $0xFFFFFFFF  }
0xc2: {  	_ =	task.clear_ibuf [dreg:s7], $0x2FFFF;
	_ =	strace $0x9FFFFFFF  }
0xc3: {  	(tm) =	ssettm $0x7FFFFFFF  }
tec
execute0_lowered:
.L_overlay_start_1:
0x0: {  	(tag) =	ssettag $0x1  }
0x1: {  	s1 =	rddreg [dreg:$0x0]  }
0x2: {  	s5 =	rddreg [dreg:$0x1]  }
0x3: {  	s3 =	rddreg [dreg:$0x2]  }
0x4: {  	s0 =	rddreg [dreg:$0x3]  }
0x5: {  	s6 =	srdreg.scid;
	s2 =	stileid.u32  }
0x6: {  	s4 =	simm.s32 $0x0;
	s14 =	simm.s32 $0x4200;
	s15 =	simm.s32 $0x4100  }
0x7: {  	s16 =	simm.s32 $0x6A00;
	s17 =	simm.s32 $0x1;
	s18 =	simm.s32 $0x4080  }
0x8: {  	s19 =	simm.s32 $0x2;
	s20 =	simm.s32 $0x4180;
	s21 =	simm.s32 $0x0  }
0x9: {  	s6 =	sand.u32 $0x1, s6;
	s7 =	smul.u32 $0x13C00, s2;
	[smem:$0x7FF] =	sst s4  }
0xa: {  	s28 =	smul.u32 $0x4F000, s2;
	s30 =	sshll.u32 s2, $0x6;
	s31 =	sshll.u32 s2, $0xC  }
0xb: {  	s8 =	sshll.u32 s6, $0xB;
	s9 =	smul.u32 $0x13C000, s6;
	_ =	strace $0x8000004A  }
0xc: {  	s6 =	ssub.s32 $0x2, s6;
	s8 =	sadd.s32 s8, s5;
	s10 =	sshrl.u32 s7, $0x3  }
0xd: {  	s11 =	sshrl.u32 s6, $0x1;
	s29 =	sshrl.u32 s28, $0x2;
	s7 =	sadd.s32 s7, s9  }
0xe: {  	s10 =	sadd.s32 s10, s5;
	s11 =	ssub.s32 s6, s11;
	s13 =	sadd.s32 s29, s3  }
0xf: {  	s6 =	sor.u32 $0x1C03, s30;
	s7 =	sshrl.u32 s7, $0x3;
	s9 =	smax.u32 s11, $0x1  }
0x10: {  	s11 =	simm.s32 $0x3;
	s12 =	sadd.s32 s7, s5;
	s5 =	sadd.s32 $0x12E00, s10  }
0x11: {  	s7 =	sadd.s32 s31, s8;
	s10 =	sshrl.u32 s13, $0x3;
	s13 =	simm.s32 $0x4000  }
0x12: {  	s7 =	sadd.s32 $0x2800, s7;
	s8 =	sadd.s32 $0x3A600, s12;
	s12 =	simm.s32 $0x50  }
.LBB2_1:
0x13: {  	[spmem:s10], [sflag:s6] =	dma.local [hbm:s5], $0x2780  }
0x14: {  	_ =	swait.ge [sflag:s11], $0x2780  }
0x15: {  	[sflag:s11] =	ssyncset.done $0x0  }
0x16: {  	[sflag:s11] =	ssyncadd.s32 $0xFFFFD880  }
0x17: {  	[tilespmem:s4], [sflag:$0x3] =	stream.linear.gather [hbm4b:s7+s4], $0x3E80, $0x38;
	[tilespmem:$0x1CE00] =	vst v63  }
0x18: {  	_ =	swait.ge [sflag:s11], $0x3E80  }
0x19: {  	[sflag:s11] =	ssyncset.done $0x0  }
0x1a: {  	[sflag:s11] =	ssyncadd.s32 $0xFFFFC180  }
0x1b: {  	[bflag:$0x0] =	sbarrier.arrive $0xFFFF  }
0x1c: {  	v0 =	vld [tilespmem:$0x0];
	_ =	sdelay $0x1  }
0x1d: {  	v1 =	vld [tilespmem:$0x10];
	_ =	sdelay $0x1  }
0x1e: {  	v2 =	vld [tilespmem:$0x20]  }
0x1f: {  	v3 =	vand.u32 $0xFFFF, v0  }
0x20: {  	v0 =	vshra.s32 v0, $0x10;
	[tilespmem:$0x4000] =	vst v3;
	v3 =	vld [tilespmem:$0x30]  }
0x21: {  	[tilespmem:$0x4080] =	vst v0;
	v0 =	vand.u32 $0xFFFF, v1  }
0x22: {  	[tilespmem:$0x4010] =	vst v0;
	v0 =	vshra.s32 v1, $0x10;
	v1 =	vld [tilespmem:$0x40]  }
0x23: {  	[tilespmem:$0x4090] =	vst v0;
	v0 =	vand.u32 $0xFFFF, v2  }
0x24: {  	[tilespmem:$0x4020] =	vst v0;
	v0 =	vshra.s32 v2, $0x10  }
0x25: {  	[tilespmem:$0x40A0] =	vst v0;
	v0 =	vand.u32 $0xFFFF, v3  }
0x26: {  	[tilespmem:$0x4030] =	vst v0;
	v0 =	vshra.s32 v3, $0x10  }
0x27: {  	[tilespmem:$0x40B0] =	vst v0;
	v0 =	vand.u32 $0xFFFF, v1  }
0x28: {  	[tilespmem:$0x4040] =	vst v0;
	v0 =	vshra.s32 v1, $0x10  }
0x29: {  	s23 =	simm.s32 $0x0;
	[tilespmem:$0x40C0] =	vst v0  }
0x2a: {  	[tilespmem:s14], [sflag:$0x1] =	stream.indirect.gather [hbm4b:s1+s12], $0x80, s13, s12, $0xb8;
	[tilespmem:$0x1CE00] =	vst v63  }
0x2b: {  	v0 =	vld [tilespmem:s23+$0x80];
	_ =	sdelay $0x4  }
0x2c: {  	v1 =	vand.u32 $0xFFFF, v0  }
0x2d: {  	v0 =	vshra.s32 v0, $0x10;
	[tilespmem:$0x4100] =	vst v1  }
0x2e: {  	[tilespmem:$0x4180] =	vst v0  }
0x2f: {  	v0 =	vld [tilespmem:s23+$0x90];
	_ =	sdelay $0x4  }
0x30: {  	v1 =	vand.u32 $0xFFFF, v0  }
0x31: {  	v0 =	vshra.s32 v0, $0x10;
	[tilespmem:$0x4110] =	vst v1  }
0x32: {  	[tilespmem:$0x4190] =	vst v0  }
0x33: {  	v0 =	vld [tilespmem:s23+$0xA0];
	_ =	sdelay $0x4  }
0x34: {  	v1 =	vand.u32 $0xFFFF, v0  }
0x35: {  	v0 =	vshra.s32 v0, $0x10;
	[tilespmem:$0x4120] =	vst v1  }
0x36: {  	[tilespmem:$0x41A0] =	vst v0  }
0x37: {  	v0 =	vld [tilespmem:s23+$0xB0];
	_ =	sdelay $0x4  }
0x38: {  	v1 =	vand.u32 $0xFFFF, v0  }
0x39: {  	v0 =	vshra.s32 v0, $0x10;
	[tilespmem:$0x4130] =	vst v1  }
0x3a: {  	[tilespmem:$0x41B0] =	vst v0  }
0x3b: {  	v0 =	vld [tilespmem:s23+$0xC0];
	_ =	sdelay $0x4  }
0x3c: {  	v1 =	vand.u32 $0xFFFF, v0  }
0x3d: {  	v0 =	vshra.s32 v0, $0x10;
	[tilespmem:$0x4140] =	vst v1  }
0x3e: {  	[tilespmem:$0x41C0] =	vst v0  }
0x3f: {  	[tilespmem:s16], [sflag:$0x2] =	stream.indirect.gather [hbm4b:s1+s12], $0x80, s15, s12, $0xb8;
	[tilespmem:$0x1CE00] =	vst v63  }
0x40: {  	_ =	swait.ge [sflag:s17], $0x2800  }
0x41: {  	[sflag:s17] =	ssyncset.done $0x0  }
0x42: {  	[sflag:s17] =	ssyncadd.s32 $0xFFFFD800  }
0x43: {  	[spmem:s3] =	stream.indirect.scatter.add.f32 [tilespmem:s14], [sflag:$0x3], $0x80, s18, s12, $0xb8;
	[tilespmem:$0x1CE00] =	vst v63  }
0x44: {  	_ =	swait.ge [sflag:s11], $0x2800  }
0x45: {  	[sflag:s11] =	ssyncset.done $0x0  }
0x46: {  	[sflag:s11] =	ssyncadd.s32 $0xFFFFD800  }
0x47: {  	v0 =	vld [tilespmem:s23+$0x100];
	_ =	sdelay $0x4  }
0x48: {  	v1 =	vand.u32 $0xFFFF, v0  }
0x49: {  	v0 =	vshra.s32 v0, $0x10;
	[tilespmem:$0x4000] =	vst v1  }
0x4a: {  	[tilespmem:$0x4080] =	vst v0  }
0x4b: {  	v0 =	vld [tilespmem:s23+$0x110];
	_ =	sdelay $0x4  }
0x4c: {  	v1 =	vand.u32 $0xFFFF, v0  }
0x4d: {  	v0 =	vshra.s32 v0, $0x10;
	[tilespmem:$0x4010] =	vst v1  }
0x4e: {  	[tilespmem:$0x4090] =	vst v0  }
0x4f: {  	v0 =	vld [tilespmem:s23+$0x120];
	_ =	sdelay $0x4  }
0x50: {  	v1 =	vand.u32 $0xFFFF, v0  }
0x51: {  	v0 =	vshra.s32 v0, $0x10;
	[tilespmem:$0x4020] =	vst v1  }
0x52: {  	[tilespmem:$0x40A0] =	vst v0  }
0x53: {  	v0 =	vld [tilespmem:s23+$0x130];
	_ =	sdelay $0x4  }
0x54: {  	v1 =	vand.u32 $0xFFFF, v0  }
0x55: {  	v0 =	vshra.s32 v0, $0x10;
	[tilespmem:$0x4030] =	vst v1  }
0x56: {  	[tilespmem:$0x40B0] =	vst v0  }
0x57: {  	s22 =	simm.s32 $0x400;
	v0 =	vld [tilespmem:s23+$0x140]  }
.LBB2_2:
0x58: {  	_ =	sdelay $0x3  }
0x59: {  	p0 =	sne.s32 s22, $0xF400;
	s23 =	smov.u32 s22;
	s22 =	sadd.s32 $0x400, s22;
	v1 =	vand.u32 $0xFFFF, v0;
	v0 =	vshra.s32 v0, $0x10  }
0x5a: {  	[tilespmem:$0x4040] =	vst v1  }
0x5b: {  	[tilespmem:$0x40C0] =	vst v0  }
0x5c: {  	[tilespmem:s14], [sflag:$0x1] =	stream.indirect.gather [hbm4b:s1+s12], $0x80, s13, s12, $0xb8;
	[tilespmem:$0x1CE00] =	vst v63  }
0x5d: {  	_ =	swait.ge [sflag:s19], $0x2800  }
0x5e: {  	[sflag:s19] =	ssyncset.done $0x0  }
0x5f: {  	[sflag:s19] =	ssyncadd.s32 $0xFFFFD800  }
0x60: {  	[spmem:s3] =	stream.indirect.scatter.add.f32 [tilespmem:s16], [sflag:$0x3], $0x80, s20, s12, $0xb8;
	[tilespmem:$0x1CE00] =	vst v63  }
0x61: {  	_ =	swait.ge [sflag:s11], $0x2800  }
0x62: {  	[sflag:s11] =	ssyncset.done $0x0  }
0x63: {  	s23 =	sshra.s32 s23, $0x2;
	[sflag:s11] =	ssyncadd.s32 $0xFFFFD800  }
0x64: {  	v0 =	vld [tilespmem:s23+$0x80];
	_ =	sdelay $0x4  }
0x65: {  	v1 =	vand.u32 $0xFFFF, v0;
	v0 =	vshra.s32 v0, $0x10  }
0x66: {  	[tilespmem:$0x4100] =	vst v1  }
0x67: {  	[tilespmem:$0x4180] =	vst v0  }
0x68: {  	v0 =	vld [tilespmem:s23+$0x90];
	_ =	sdelay $0x4  }
0x69: {  	v1 =	vand.u32 $0xFFFF, v0;
	v0 =	vshra.s32 v0, $0x10  }
0x6a: {  	[tilespmem:$0x4110] =	vst v1  }
0x6b: {  	[tilespmem:$0x4190] =	vst v0  }
0x6c: {  	v0 =	vld [tilespmem:s23+$0xA0];
	_ =	sdelay $0x4  }
0x6d: {  	v1 =	vand.u32 $0xFFFF, v0;
	v0 =	vshra.s32 v0, $0x10  }
0x6e: {  	[tilespmem:$0x4120] =	vst v1  }
0x6f: {  	[tilespmem:$0x41A0] =	vst v0  }
0x70: {  	v0 =	vld [tilespmem:s23+$0xB0];
	_ =	sdelay $0x4  }
0x71: {  	v1 =	vand.u32 $0xFFFF, v0;
	v0 =	vshra.s32 v0, $0x10  }
0x72: {  	[tilespmem:$0x4130] =	vst v1  }
0x73: {  	[tilespmem:$0x41B0] =	vst v0  }
0x74: {  	v0 =	vld [tilespmem:s23+$0xC0];
	_ =	sdelay $0x4  }
0x75: {  	v1 =	vand.u32 $0xFFFF, v0;
	v0 =	vshra.s32 v0, $0x10  }
0x76: {  	[tilespmem:$0x4140] =	vst v1  }
0x77: {  	[tilespmem:$0x41C0] =	vst v0  }
0x78: {  	[tilespmem:s16], [sflag:$0x2] =	stream.indirect.gather [hbm4b:s1+s12], $0x80, s15, s12, $0xb8;
	[tilespmem:$0x1CE00] =	vst v63  }
0x79: {  	_ =	swait.ge [sflag:s17], $0x2800  }
0x7a: {  	[sflag:s17] =	ssyncset.done $0x0  }
0x7b: {  	[sflag:s17] =	ssyncadd.s32 $0xFFFFD800  }
0x7c: {  	[spmem:s3] =	stream.indirect.scatter.add.f32 [tilespmem:s14], [sflag:$0x3], $0x80, s18, s12, $0xb8;
	[tilespmem:$0x1CE00] =	vst v63  }
0x7d: {  	_ =	swait.ge [sflag:s11], $0x2800  }
0x7e: {  	[sflag:s11] =	ssyncset.done $0x0  }
0x7f: {  	[sflag:s11] =	ssyncadd.s32 $0xFFFFD800  }
0x80: {  	v0 =	vld [tilespmem:s23+$0x100];
	_ =	sdelay $0x4  }
0x81: {  	v1 =	vand.u32 $0xFFFF, v0;
	v0 =	vshra.s32 v0, $0x10  }
0x82: {  	[tilespmem:$0x4000] =	vst v1  }
0x83: {  	[tilespmem:$0x4080] =	vst v0  }
0x84: {  	v0 =	vld [tilespmem:s23+$0x110];
	_ =	sdelay $0x4  }
0x85: {  	v1 =	vand.u32 $0xFFFF, v0;
	v0 =	vshra.s32 v0, $0x10  }
0x86: {  	[tilespmem:$0x4010] =	vst v1  }
0x87: {  	[tilespmem:$0x4090] =	vst v0  }
0x88: {  	v0 =	vld [tilespmem:s23+$0x120];
	_ =	sdelay $0x4  }
0x89: {  	v1 =	vand.u32 $0xFFFF, v0;
	v0 =	vshra.s32 v0, $0x10  }
0x8a: {  	[tilespmem:$0x4020] =	vst v1  }
0x8b: {  	[tilespmem:$0x40A0] =	vst v0  }
0x8c: {  	v0 =	vld [tilespmem:s23+$0x130];
	_ =	sdelay $0x3  }
.Ltmp0:
0x8d: {  	(pc) =	sbr.rel @p0 .LBB2_2-.Ltmp0, $4  }
0x8e: {  	v1 =	vand.u32 $0xFFFF, v0;
	v0 =	vshra.s32 v0, $0x10  }
0x8f: {  	[tilespmem:$0x4030] =	vst v1  }
0x90: {  	[tilespmem:$0x40B0] =	vst v0  }
0x91: {  	v0 =	vld [tilespmem:s23+$0x140]  }
0x92: {  	_ =	sdelay $0x3  }
0x93: {  	v1 =	vand.u32 $0xFFFF, v0  }
0x94: {  	v63 =	vshra.s32 v0, $0x10;
	[tilespmem:$0x4040] =	vst v1  }
0x95: {  	[tilespmem:$0x40C0] =	vst v63  }
0x96: {  	[tilespmem:s14], [sflag:$0x1] =	stream.indirect.gather [hbm4b:s1+s12], $0x80, s13, s12, $0xb8;
	[tilespmem:$0x1CE00] =	vst v63  }
0x97: {  	_ =	swait.ge [sflag:s19], $0x2800  }
0x98: {  	[sflag:s19] =	ssyncset.done $0x0  }
0x99: {  	[sflag:s19] =	ssyncadd.s32 $0xFFFFD800  }
0x9a: {  	[spmem:s3] =	stream.indirect.scatter.add.f32 [tilespmem:s16], [sflag:$0x3], $0x80, s20, s12, $0xb8;
	[tilespmem:$0x1CE00] =	vst v63  }
0x9b: {  	_ =	swait.ge [sflag:s11], $0x2800  }
0x9c: {  	[sflag:s11] =	ssyncset.done $0x0  }
0x9d: {  	[sflag:s11] =	ssyncadd.s32 $0xFFFFD800  }
0x9e: {  	_ =	swait.ge [sflag:s17], $0x2800  }
0x9f: {  	[sflag:s17] =	ssyncset.done $0x0  }
0xa0: {  	[sflag:s17] =	ssyncadd.s32 $0xFFFFD800  }
0xa1: {  	[spmem:s3] =	stream.indirect.scatter.add.f32 [tilespmem:s14], [sflag:$0x3], $0x80, s18, s12, $0xb8;
	[tilespmem:$0x1CE00] =	vst v63  }
0xa2: {  	_ =	swait.ge [sflag:s11], $0x2800  }
0xa3: {  	s21 =	sadd.s32 $0x1, s21;
	[sflag:s11] =	ssyncset.done $0x0  }
0xa4: {  	p0 =	sne.s32 s21, s9;
	[sflag:s11] =	ssyncadd.s32 $0xFFFFD800  }
.Ltmp1:
0xa5: {  	[bflag:$0x0] =	sbarrier.arrive $0xFFFF;
	(pc) =	sbr.rel @p0 .LBB2_1-.Ltmp1, $4  }
0xa6: {  	[hbm:s8], [sflag:s6] =	dma.local [spmem:s10], $0x2780  }
0xa7: {  	_ =	swait.ge [sflag:s11], $0x2780  }
0xa8: {  	[sflag:s11] =	ssyncset.done $0x0  }
0xa9: {  	[sflag:s11] =	ssyncadd.s32 $0xFFFFD880  }
0xaa: {  	_ =	sfence.sel $0x180000  }
0xab: {  	[bflag:$0x0] =	sbarrier.arrive $0xFFFF  }
0xac: {  	p0 =	sne.s32 s2, $0x0;
	_ =	strace $0x9000004A  }
0xad: {  	s0 =	sadd.s32 @!p0 $0x100000, s0;
	[bflag:$0x2] =	sbarrier.arrive $0xFFFF  }
0xae: {  	[sflag:s0] =	ssyncadd.tile.s32 @!p0 $0x1;
	_ =	shalt  }
.Lfunc_end2:
_tile_overlayer_lowered:
.L_overlay_start_2:
0xaf: {  	(tag) =	ssettag $0x2  }
0xb0: {  	s0 =	rddreg [dreg:$0x0];
	s2 =	stileid.u32  }
0xb1: {  	s1 =	rddreg [dreg:$0x1];
	p0 =	sne.s32 s2, $0x0  }
0xb2: {  	s3 =	rddreg [dreg:$0x2];
	[bflag:$0x3] =	sbarrier.arrive $0xFFFF;
	s2 =	simm.s32 @!p0 $0x1C03  }
0xb3: {  	[timem:s3], [sflag:s2] =	dma.local @!p0 [hbm:s0], s1  }
0xb4: {  	s0 =	simm.s32 @!p0 $0x3  }
0xb5: {  	_ =	swait.ge @!p0 [sflag:s0], s1  }
0xb6: {  	s1 =	ssub.s32 @!p0 $0x0, s1;
	[sflag:s0] =	ssyncset.done @!p0 $0x0  }
0xb7: {  	[sflag:s0] =	ssyncadd.s32 @!p0 s1  }
0xb8: {  	[bflag:$0x3] =	sbarrier.arrive $0xFFFF  }
0xb9: {  	_ =	shalt  }

// kernel: kernel.7.cloned.1.call-start
scs
__scs_entry_jumppad:
0x0: {  	(pc) =	sbr.rel $0x88, $3  }
0x1: {  	(tag) =	ssettag $0x0;
	lr =	simm.s32 $0x1  }
0x2: {  	[smem:$0x3F95] =	sst lr;
	_ =	strace $0xD0000000  }
0x3: {  	_ = 	snop  }
0x4: {  	_ = 	snop  }
0x5: {  	_ = 	snop  }
0x6: {  	_ = 	snop  }
0x7: {  	_ = 	snop  }
__scs_overlays_trampoline_lowered:
0x8: {  	[smem:$0x3FA4] =	sst s0  }
0x9: {  	[smem:$0x3FA5] =	sst s1  }
0xa: {  	[smem:$0x3FA6] =	sst s2  }
0xb: {  	[smem:$0x3FA7] =	sst s3  }
0xc: {  	[smem:$0x3FA8] =	sst s4  }
0xd: {  	[smem:$0x3FA9] =	sst s5  }
0xe: {  	[smem:$0x3FAA] =	sst s6  }
0xf: {  	[smem:$0x3FAB] =	sst s7  }
0x10: {  	[smem:$0x3FAC] =	sst s8  }
0x11: {  	[smem:$0x3FAD] =	sst s9;
	s0 =	simm.s32 @!p0 $0x0  }
0x12: {  	s1 =	sld [smem:$0x3F93];
	s0 =	simm.s32 @p0 $0x1  }
0x13: {  	[smem:$0x3FAE] =	sst s0;
	s0 =	simm.s32 @!p1 $0x0  }
0x14: {  	s2 =	sld [smem:$0x3F92];
	s0 =	simm.s32 @p1 $0x1  }
0x15: {  	[smem:$0x3FAF] =	sst s0;
	s0 =	simm.s32 @!p2 $0x0  }
0x16: {  	s3 =	sld [smem:$0x3FDB];
	s0 =	simm.s32 @p2 $0x1  }
0x17: {  	s4 =	simm.s32 $0x1BF5;
	[smem:$0x3FB1] =	sst s0  }
0x18: {  	s0 =	sld [smem:$0x3F94];
	_ =	swait.ge [sflag:s4], $0x0  }
0x19: {  	s7 =	sld [smem:$0x3F95]  }
0x1a: {  	s8 =	sadd.s32 $0xFFFFE003, lr  }
0x1b: {  	s9 =	sadd.s32 $0xFFFFFEF7, lr;
	s5 =	simm.s32 $0xFFFFFFFF;
	p2 =	slt.u32 s8, $0xFFFFF086  }
0x1c: {  	p1 =	slt.u32 s9, $0xF7A;
	s5 =	simm.s32 @!p2 $0x0  }
0x1d: {  	s5 =	simm.s32 @p1 $0x1;
	p0 =	seq.s32 s7, s2  }
0x1e: {  	s7 =	smul.u32 @!p0 $0xF7A, s2;
	p2 =	seq.s32 @!p0 s5, $0x0  }
0x1f: {  	s9 =	smul.u32 $0xF7A, s1;
	s8 =	simm.s32 @!p0 $0x1BF5;
	p2 =	por !p2, p0  }
0x20: {  	[sflag:s8] =	ssyncset.s32 @!p0 $0xFFFFF086;
	s6 =	sadd.s32 @!p0 s3, s7;
	s7 =	simm.s32 @!p0 $0x108  }
0x21: {  	s3 =	sadd.s32 s3, s9;
	s6 =	sadd.s32 @!p0 $0x88, s6;
	s7 =	simm.s32 @p2 $0x1082  }
0x22: {  	[simem:s7], [sflag:s8] =	dma.local @!p0 [hbm:s6], $0xF7A  }
0x23: {  	s9 =	sor.u32 $0xD0000000, s2;
	s6 =	simm.s32 $0x108;
	_ =	swait.ge @!p0 [sflag:s8], $0x0  }
0x24: {  	s3 =	sadd.s32 $0x88, s3;
	s6 =	simm.s32 @!p1 $0x1082;
	[sflag:s4] =	ssyncset.s32 $0xFFFFF086  }
0x25: {  	[simem:s6], [sflag:s4] =	dma.local [hbm:s3], $0xF7A  }
0x26: {  	[smem:$0x3F95] =	sst s1;
	(tag) =	ssettag s2;
	_ =	strace s9  }
0x27: {  	s1 =	sld [smem:$0x3FA5]  }
0x28: {  	s2 =	sld [smem:$0x3FA6]  }
0x29: {  	s4 =	sld [smem:$0x3FA8]  }
0x2a: {  	p0 =	seq.s32 s5, $0x0;
	s5 =	sld [smem:$0x3FA9]  }
0x2b: {  	s6 =	sld [smem:$0x3FAA]  }
0x2c: {  	s7 =	sld [smem:$0x3FAB]  }
0x2d: {  	s3 =	simm.s32 $0x108;
	s8 =	sld [smem:$0x3FAC]  }
0x2e: {  	s3 =	simm.s32 @!p0 $0x1082;
	s9 =	sld [smem:$0x3FAD]  }
0x2f: {  	lr =	sadd.s32 s0, s3;
	s0 =	sld [smem:$0x3FA4]  }
0x30: {  	s3 =	sld [smem:$0x3FA7]  }
0x31: {  	[smem:$0x3FB0] =	sst s10  }
0x32: {  	s10 =	sld [smem:$0x3FAE];
	_ =	sdelay $0x3  }
0x33: {  	p0 =	seq.s32 s10, $0x1;
	s10 =	sld [smem:$0x3FB0];
	_ =	sdelay $0x3  }
0x34: {  	[smem:$0x3FB0] =	sst s10  }
0x35: {  	s10 =	sld [smem:$0x3FAF];
	_ =	sdelay $0x3  }
0x36: {  	p1 =	seq.s32 s10, $0x1;
	s10 =	sld [smem:$0x3FB0];
	_ =	sdelay $0x3  }
0x37: {  	[smem:$0x3FB0] =	sst s10  }
0x38: {  	s10 =	sld [smem:$0x3FB1]  }
0x39: {  	_ = 	snop;
	(pc) =	sbr.ind lr, $3  }
0x3a: {  	_ = 	snop  }
0x3b: {  	_ = 	snop  }
0x3c: {  	p2 =	seq.s32 s10, $0x1;
	s10 =	sld [smem:$0x3FB0]  }
0x3d: {  	_ =	shalt  }
0x3e: {  	_ =	shalt  }
0x3f: {  	_ =	shalt  }
0x40: {  	_ =	shalt  }
0x41: {  	_ =	shalt  }
0x42: {  	_ =	shalt  }
0x43: {  	_ =	shalt  }
0x44: {  	_ =	shalt  }
0x45: {  	_ =	shalt  }
0x46: {  	_ =	shalt  }
0x47: {  	_ =	shalt  }
0x48: {  	_ =	shalt  }
0x49: {  	_ =	shalt  }
0x4a: {  	_ =	shalt  }
0x4b: {  	_ =	shalt  }
0x4c: {  	_ =	shalt  }
0x4d: {  	_ =	shalt  }
0x4e: {  	_ =	shalt  }
0x4f: {  	_ =	shalt  }
0x50: {  	_ =	shalt  }
0x51: {  	_ =	shalt  }
0x52: {  	_ =	shalt  }
0x53: {  	_ =	shalt  }
0x54: {  	_ =	shalt  }
0x55: {  	_ =	shalt  }
0x56: {  	_ =	shalt  }
0x57: {  	_ =	shalt  }
0x58: {  	_ =	shalt  }
0x59: {  	_ =	shalt  }
0x5a: {  	_ =	shalt  }
0x5b: {  	_ =	shalt  }
0x5c: {  	_ =	shalt  }
0x5d: {  	_ =	shalt  }
0x5e: {  	_ =	shalt  }
0x5f: {  	_ =	shalt  }
0x60: {  	_ =	shalt  }
0x61: {  	_ =	shalt  }
0x62: {  	_ =	shalt  }
0x63: {  	_ =	shalt  }
0x64: {  	_ =	shalt  }
0x65: {  	_ =	shalt  }
0x66: {  	_ =	shalt  }
0x67: {  	_ =	shalt  }
0x68: {  	_ =	shalt  }
0x69: {  	_ =	shalt  }
0x6a: {  	_ =	shalt  }
0x6b: {  	_ =	shalt  }
0x6c: {  	_ =	shalt  }
0x6d: {  	_ =	shalt  }
0x6e: {  	_ =	shalt  }
0x6f: {  	_ =	shalt  }
0x70: {  	_ =	shalt  }
0x71: {  	_ =	shalt  }
0x72: {  	_ =	shalt  }
0x73: {  	_ =	shalt  }
0x74: {  	_ =	shalt  }
0x75: {  	_ =	shalt  }
0x76: {  	_ =	shalt  }
0x77: {  	_ =	shalt  }
0x78: {  	_ =	shalt  }
0x79: {  	_ =	shalt  }
0x7a: {  	_ =	shalt  }
0x7b: {  	_ =	shalt  }
0x7c: {  	_ =	shalt  }
0x7d: {  	_ =	shalt  }
0x7e: {  	_ =	shalt  }
0x7f: {  	_ =	shalt  }
0x80: {  	_ =	shalt  }
0x81: {  	_ =	shalt  }
0x82: {  	_ =	shalt  }
0x83: {  	_ =	shalt  }
0x84: {  	_ =	shalt  }
0x85: {  	_ =	shalt  }
0x86: {  	_ =	shalt  }
0x87: {  	_ =	shalt  }
.Lfunc_end0:
.L_simem_size_0:
called_computation_lowered:
.L_overlay_start_0:
0x88: {  	s2 =	sld [smem:$0x3FD9]  }
0x89: {  	s3 =	sld [smem:$0x3FFE];
	_ =	sdelay $0x1  }
0x8a: {  	s1 =	srdreg.scid  }
0x8b: {  	s0 =	sand.u32 $0x1, s1  }
0x8c: {  	s17 =	sshll.u32 s0, $0xA;
	s2 =	sadd.s32 s3, s2  }
0x8d: {  	s2 =	sadd.s32 s2, s17  }
0x8e: {  	[smem:$0x3FBC] =	sst s2  }
0x8f: {  	_ = 	snop  }
0x90: {  	s2 =	sld [smem:$0x3FD0];
	(tm) =	ssettm $0x1  }
0x91: {  	s18 =	sld [smem:$0x3FFB];
	_ =	sdelay $0x3  }
0x92: {  	_ =	strace s18  }
0x93: {  	s3 =	sld [smem:$0x3FFC];
	_ =	sdelay $0x3  }
0x94: {  	_ =	strace s3  }
0x95: {  	s3 =	sld [smem:$0x3FFD];
	_ =	sdelay $0x3  }
0x96: {  	_ =	strace s3  }
0x97: {  	_ =	strace $0x8FFFFFFF  }
0x98: {  	s19 =	sld [smem:$0x3FDB];
	_ =	sdelay $0x1  }
0x99: {  	s4 =	simm.s32 $_scs_section_size  }
0x9a: {  	s5 =	simm.s32 $_size__tile_overlayer_lowered;
	s6 =	simm.s32 $_tile_overlayer_lowered  }
0x9b: {  	s22 =	simm.s32 $0x1BFF;
	s21 =	sshll.u32 s6, $0x1;
	s3 =	sadd.s32 s4, s19  }
0x9c: {  	s7 =	simm.s32 $0x0;
	s20 =	sshll.u32 s5, $0x1;
	s5 =	sadd.s32 s21, s3  }
0x9d: {  	[timem:s7], [sflag:s22] =	dma.local [hbm:s5], s20  }
0x9e: {  	_ =	swait.ge [sflag:s22], s20  }
0x9f: {  	s4 =	ssub.s32 $0x0, s20;
	[sflag:s22] =	ssyncset.done $0x0  }
0xa0: {  	[sflag:s22] =	ssyncadd.s32 s4;
	_ =	sdelay $0x1  }
0xa1: {  	s23 =	simm.s32 $0x1B8B  }
0xa2: {  	_ =	swait.ge [sflag:s23], $0x1  }
0xa3: {  	[sflag:s23] =	ssyncset.done $0x0  }
0xa4: {  	s25 =	simm.s32 $0x1B8E;
	s24 =	sld [smem:$0x3FFE];
	[sflag:s23] =	ssyncadd.s32 $0xFFFFFFFF  }
0xa5: {  	s26 =	simm.s32 $execute0_lowered;
	[smem:$0x3FD2] =	sst s25  }
0xa6: {  	s5 =	sshll.u32 s26, $0x1;
	_ =	strace $0x80000046;
	[dreg:$0x1] =	wrdreg $0xFFFFFFFF  }
0xa7: {  	s28 =	simm.s32 $_size_execute0_lowered;
	s3 =	sadd.s32 s3, s5;
	[dreg:$0x0] =	wrdreg $0x0  }
0xa8: {  	s5 =	sshll.u32 s28, $0x1;
	[dreg:$0x2] =	wrdreg s3  }
0xa9: {  	[dreg:$0x3] =	wrdreg s5  }
0xaa: {  	[dreg:$0x4] =	wrdreg $0xC0  }
0xab: {  	_ =	task [dreg:s7], $0x5FFFF  }
0xac: {  	[dreg:$0x1] =	wrdreg $0xFFFFFFFF  }
0xad: {  	[dreg:$0x0] =	wrdreg $0x60  }
0xae: {  	[dreg:$0x2] =	wrdreg s2  }
0xaf: {  	[dreg:$0x3] =	wrdreg s24  }
0xb0: {  	[dreg:$0x4] =	wrdreg $0x92000  }
0xb1: {  	[dreg:$0x5] =	wrdreg $0x9  }
0xb2: {  	_ =	task.clear_ibuf [dreg:s7], $0x6FFFF;
	_ =	strace $0x90000046  }
0xb3: {  	s29 =	simm.s32 $0x9;
	_ =	strace $0x80000048  }
0xb4: {  	_ =	swait.ge [sflag:s29], $0x1  }
0xb5: {  	[sflag:s29] =	ssyncadd.s32 $0xFFFFFFFF  }
0xb6: {  	_ =	strace $0x90000048  }
0xb7: {  	_ =	sfence  }
0xb8: {  	s30 =	sld [smem:$0x0];
	_ =	sdelay $0x2  }
0xb9: {  	s31 =	sshll.u32 s1, $0xD;
	s1 =	sshrl.u32 s1, $0x2  }
0xba: {  	s3 =	sand.u32 $0x4000, s31;
	s1 =	sadd.s32 s1, s30  }
0xbb: {  	s0 =	sor.u32 s3, s0;
	s1 =	sshll.u32 s1, $0x11  }
0xbc: {  	s0 =	sor.u32 s1, s0  }
0xbd: {  	s0 =	sadd.s32 $0x8F2B, s0  }
0xbe: {  	[sflag:s0] =	ssyncadd.remote.s32 $0x1  }
0xbf: {  	_ =	sfence.sel $0xFFFF  }
0xc0: {  	[dreg:$0x0] =	wrdreg $0xFFFFFFFF;
	(pc) =	sbr.abs _section_cstart, $3  }
0xc1: {  	[dreg:$0x1] =	wrdreg $0xFFFFFFFF  }
0xc2: {  	_ =	task.clear_ibuf [dreg:s7], $0x2FFFF;
	_ =	strace $0x9FFFFFFF  }
0xc3: {  	(tm) =	ssettm $0x7FFFFFFF  }
tec
execute0_lowered:
.L_overlay_start_1:
0x0: {  	(tag) =	ssettag $0x1  }
0x1: {  	s1 =	rddreg [dreg:$0x0]  }
0x2: {  	s6 =	rddreg [dreg:$0x1]  }
0x3: {  	s3 =	rddreg [dreg:$0x2]  }
0x4: {  	s0 =	rddreg [dreg:$0x3];
	s5 =	srdreg.scid  }
0x5: {  	s2 =	stileid.u32;
	s4 =	simm.s32 $0x0;
	s15 =	simm.s32 $0x50  }
0x6: {  	s16 =	simm.s32 $0x4080;
	s17 =	simm.s32 $0x4000;
	s18 =	simm.s32 $0x4100  }
0x7: {  	s19 =	simm.s32 $0x6A00;
	s20 =	simm.s32 $0x1;
	s21 =	simm.s32 $0x2  }
0x8: {  	s22 =	simm.s32 $0x4180;
	s23 =	simm.s32 $0x0;
	s7 =	smul.u32 $0x13C00, s2  }
0x9: {  	s5 =	sand.u32 $0x1, s5;
	[smem:$0x7FF] =	sst s4;
	s11 =	smul.u32 $0x4F000, s2  }
0xa: {  	s30 =	sshll.u32 s2, $0xC;
	s31 =	sshll.u32 s2, $0x6;
	s8 =	smul.u32 $0x13C000, s5  }
0xb: {  	_ =	strace $0x80000047;
	s9 =	sshll.u32 s5, $0xB;
	s26 =	ssub.s32 $0x2, s5  }
0xc: {  	s5 =	sadd.s32 $0x12800, s6;
	s10 =	sshrl.u32 s7, $0x3;
	s9 =	sadd.s32 s9, s6  }
0xd: {  	s28 =	sshrl.u32 s26, $0x1;
	s29 =	sshrl.u32 s11, $0x2;
	s10 =	sadd.s32 s10, s6  }
0xe: {  	s7 =	sadd.s32 s7, s8;
	s13 =	ssub.s32 s26, s28;
	s9 =	sadd.s32 s30, s9  }
0xf: {  	s14 =	sadd.s32 s29, s3;
	s7 =	sshrl.u32 s7, $0x3;
	s8 =	sadd.s32 $0x2800, s9  }
0x10: {  	s11 =	smax.u32 s13, $0x1;
	s13 =	simm.s32 $0x3;
	s12 =	sadd.s32 s7, s6  }
0x11: {  	s6 =	sadd.s32 $0x12E00, s10;
	s7 =	sor.u32 $0x1C03, s31;
	s9 =	sadd.s32 $0x89600, s12  }
0x12: {  	s10 =	sadd.s32 $0x3A600, s12;
	s12 =	sshrl.u32 s14, $0x3;
	s14 =	simm.s32 $0x4200  }
.LBB2_1:
0x13: {  	[spmem:s12], [sflag:s7] =	dma.local [hbm:s6], $0x2780  }
0x14: {  	_ =	swait.ge [sflag:s13], $0x2780  }
0x15: {  	[sflag:s13] =	ssyncset.done $0x0  }
0x16: {  	[sflag:s13] =	ssyncadd.s32 $0xFFFFD880  }
0x17: {  	[tilespmem:s4], [sflag:$0x3] =	stream.linear.gather [hbm4b:s8+s4], $0x3E80, $0x38;
	[tilespmem:$0x1CE00] =	vst v63  }
0x18: {  	_ =	swait.ge [sflag:s13], $0x3E80  }
0x19: {  	[sflag:s13] =	ssyncset.done $0x0  }
0x1a: {  	[sflag:s13] =	ssyncadd.s32 $0xFFFFC180  }
0x1b: {  	[tilespmem:s14], [sflag:$0x3] =	stream.linear.gather [hbm4b:s5+s4], $0x2800, $0x38;
	[tilespmem:$0x1CE00] =	vst v63  }
0x1c: {  	_ =	swait.ge [sflag:s13], $0x2800  }
0x1d: {  	[sflag:s13] =	ssyncset.done $0x0  }
0x1e: {  	[sflag:s13] =	ssyncadd.s32 $0xFFFFD800  }
0x1f: {  	s24 =	simm.s32 $0x0;
	[bflag:$0x0] =	sbarrier.arrive $0xFFFF  }
0x20: {  	v0 =	vld [tilespmem:s24+$0x0];
	_ =	sdelay $0x4  }
0x21: {  	v1 =	vand.u32 $0xFFFF, v0  }
0x22: {  	v0 =	vshra.s32 v0, $0x10;
	[tilespmem:$0x4000] =	vst v1  }
0x23: {  	[tilespmem:$0x4080] =	vst v0  }
0x24: {  	v0 =	vld [tilespmem:s24+$0x10];
	_ =	sdelay $0x4  }
0x25: {  	v1 =	vand.u32 $0xFFFF, v0  }
0x26: {  	v0 =	vshra.s32 v0, $0x10;
	[tilespmem:$0x4010] =	vst v1  }
0x27: {  	[tilespmem:$0x4090] =	vst v0  }
0x28: {  	v0 =	vld [tilespmem:s24+$0x20];
	_ =	sdelay $0x4  }
0x29: {  	v1 =	vand.u32 $0xFFFF, v0  }
0x2a: {  	v0 =	vshra.s32 v0, $0x10;
	[tilespmem:$0x4020] =	vst v1  }
0x2b: {  	[tilespmem:$0x40A0] =	vst v0  }
0x2c: {  	v0 =	vld [tilespmem:s24+$0x30];
	_ =	sdelay $0x4  }
0x2d: {  	v1 =	vand.u32 $0xFFFF, v0  }
0x2e: {  	v0 =	vshra.s32 v0, $0x10;
	[tilespmem:$0x4030] =	vst v1  }
0x2f: {  	[tilespmem:$0x40B0] =	vst v0  }
0x30: {  	v0 =	vld [tilespmem:s24+$0x40];
	_ =	sdelay $0x4  }
0x31: {  	s24 =	simm.s32 $0x200;
	v1 =	vand.u32 $0xFFFF, v0;
	v0 =	vshra.s32 v0, $0x10  }
.LBB2_2:
0x32: {  	p0 =	sne.s32 s24, $0xF800;
	[tilespmem:$0x4040] =	vst v1;
	s25 =	smov.u32 s24;
	s24 =	sadd.s32 $0x200, s24  }
0x33: {  	[tilespmem:$0x40C0] =	vst v0  }
0x34: {  	[spmem:s3] =	stream.indirect.scatter.add.f32 [tilespmem:s14], [sflag:$0x3], $0x80, s16, s15, $0xb8;
	[tilespmem:$0x1CE00] =	vst v63  }
0x35: {  	_ =	swait.ge [sflag:s13], $0x2800  }
0x36: {  	[sflag:s13] =	ssyncset.done $0x0  }
0x37: {  	s25 =	sshra.s32 s25, $0x2;
	[sflag:s13] =	ssyncadd.s32 $0xFFFFD800  }
0x38: {  	v0 =	vld [tilespmem:s25+$0x0];
	_ =	sdelay $0x4  }
0x39: {  	v1 =	vand.u32 $0xFFFF, v0;
	v0 =	vshra.s32 v0, $0x10  }
0x3a: {  	[tilespmem:$0x4000] =	vst v1  }
0x3b: {  	[tilespmem:$0x4080] =	vst v0  }
0x3c: {  	v0 =	vld [tilespmem:s25+$0x10];
	_ =	sdelay $0x4  }
0x3d: {  	v1 =	vand.u32 $0xFFFF, v0;
	v0 =	vshra.s32 v0, $0x10  }
0x3e: {  	[tilespmem:$0x4010] =	vst v1  }
0x3f: {  	[tilespmem:$0x4090] =	vst v0  }
0x40: {  	v0 =	vld [tilespmem:s25+$0x20];
	_ =	sdelay $0x4  }
0x41: {  	v1 =	vand.u32 $0xFFFF, v0;
	v0 =	vshra.s32 v0, $0x10  }
0x42: {  	[tilespmem:$0x4020] =	vst v1  }
0x43: {  	[tilespmem:$0x40A0] =	vst v0  }
0x44: {  	v0 =	vld [tilespmem:s25+$0x30];
	_ =	sdelay $0x4  }
0x45: {  	v1 =	vand.u32 $0xFFFF, v0;
	v0 =	vshra.s32 v0, $0x10  }
0x46: {  	[tilespmem:$0x4030] =	vst v1  }
0x47: {  	[tilespmem:$0x40B0] =	vst v0  }
0x48: {  	v0 =	vld [tilespmem:s25+$0x40]  }
.Ltmp0:
0x49: {  	(pc) =	sbr.rel @p0 .LBB2_2-.Ltmp0, $2  }
0x4a: {  	_ =	sdelay $0x2  }
0x4b: {  	v1 =	vand.u32 $0xFFFF, v0;
	v0 =	vshra.s32 v0, $0x10  }
0x4c: {  	[tilespmem:$0x4040] =	vst v1  }
0x4d: {  	[tilespmem:$0x40C0] =	vst v0  }
0x4e: {  	[spmem:s3] =	stream.indirect.scatter.add.f32 [tilespmem:s14], [sflag:$0x3], $0x80, s16, s15, $0xb8;
	[tilespmem:$0x1CE00] =	vst v63  }
0x4f: {  	_ =	swait.ge [sflag:s13], $0x2800  }
0x50: {  	[sflag:s13] =	ssyncset.done $0x0  }
0x51: {  	[sflag:s13] =	ssyncadd.s32 $0xFFFFD800  }
0x52: {  	[bflag:$0x0] =	sbarrier.arrive $0xFFFF  }
0x53: {  	[hbm:s9], [sflag:s7] =	dma.local [spmem:s12], $0x2780  }
0x54: {  	_ =	swait.ge [sflag:s13], $0x2780  }
0x55: {  	[sflag:s13] =	ssyncset.done $0x0  }
0x56: {  	[sflag:s13] =	ssyncadd.s32 $0xFFFFD880  }
0x57: {  	[spmem:s12], [sflag:s7] =	dma.local [hbm:s6], $0x2780  }
0x58: {  	_ =	swait.ge [sflag:s13], $0x2780  }
0x59: {  	[sflag:s13] =	ssyncset.done $0x0  }
0x5a: {  	[sflag:s13] =	ssyncadd.s32 $0xFFFFD880  }
0x5b: {  	[bflag:$0x0] =	sbarrier.arrive $0xFFFF  }
0x5c: {  	v0 =	vld [tilespmem:$0x0];
	_ =	sdelay $0x1  }
0x5d: {  	v1 =	vld [tilespmem:$0x10];
	_ =	sdelay $0x1  }
0x5e: {  	v2 =	vld [tilespmem:$0x20]  }
0x5f: {  	v3 =	vand.u32 $0xFFFF, v0  }
0x60: {  	v0 =	vshra.s32 v0, $0x10;
	[tilespmem:$0x4000] =	vst v3;
	v3 =	vld [tilespmem:$0x30]  }
0x61: {  	[tilespmem:$0x4080] =	vst v0;
	v0 =	vand.u32 $0xFFFF, v1  }
0x62: {  	[tilespmem:$0x4010] =	vst v0;
	v0 =	vshra.s32 v1, $0x10;
	v1 =	vld [tilespmem:$0x40]  }
0x63: {  	[tilespmem:$0x4090] =	vst v0;
	v0 =	vand.u32 $0xFFFF, v2  }
0x64: {  	[tilespmem:$0x4020] =	vst v0;
	v0 =	vshra.s32 v2, $0x10  }
0x65: {  	[tilespmem:$0x40A0] =	vst v0;
	v0 =	vand.u32 $0xFFFF, v3  }
0x66: {  	[tilespmem:$0x4030] =	vst v0;
	v0 =	vshra.s32 v3, $0x10  }
0x67: {  	[tilespmem:$0x40B0] =	vst v0;
	v0 =	vand.u32 $0xFFFF, v1  }
0x68: {  	[tilespmem:$0x4040] =	vst v0;
	v0 =	vshra.s32 v1, $0x10  }
0x69: {  	s25 =	simm.s32 $0x0;
	[tilespmem:$0x40C0] =	vst v0  }
0x6a: {  	[tilespmem:s14], [sflag:$0x1] =	stream.indirect.gather [hbm4b:s1+s15], $0x80, s17, s15, $0xb8;
	[tilespmem:$0x1CE00] =	vst v63  }
0x6b: {  	v0 =	vld [tilespmem:s25+$0x80];
	_ =	sdelay $0x4  }
0x6c: {  	v1 =	vand.u32 $0xFFFF, v0  }
0x6d: {  	v0 =	vshra.s32 v0, $0x10;
	[tilespmem:$0x4100] =	vst v1  }
0x6e: {  	[tilespmem:$0x4180] =	vst v0  }
0x6f: {  	v0 =	vld [tilespmem:s25+$0x90];
	_ =	sdelay $0x4  }
0x70: {  	v1 =	vand.u32 $0xFFFF, v0  }
0x71: {  	v0 =	vshra.s32 v0, $0x10;
	[tilespmem:$0x4110] =	vst v1  }
0x72: {  	[tilespmem:$0x4190] =	vst v0  }
0x73: {  	v0 =	vld [tilespmem:s25+$0xA0];
	_ =	sdelay $0x4  }
0x74: {  	v1 =	vand.u32 $0xFFFF, v0  }
0x75: {  	v0 =	vshra.s32 v0, $0x10;
	[tilespmem:$0x4120] =	vst v1  }
0x76: {  	[tilespmem:$0x41A0] =	vst v0  }
0x77: {  	v0 =	vld [tilespmem:s25+$0xB0];
	_ =	sdelay $0x4  }
0x78: {  	v1 =	vand.u32 $0xFFFF, v0  }
0x79: {  	v0 =	vshra.s32 v0, $0x10;
	[tilespmem:$0x4130] =	vst v1  }
0x7a: {  	[tilespmem:$0x41B0] =	vst v0  }
0x7b: {  	v0 =	vld [tilespmem:s25+$0xC0];
	_ =	sdelay $0x4  }
0x7c: {  	v1 =	vand.u32 $0xFFFF, v0  }
0x7d: {  	v0 =	vshra.s32 v0, $0x10;
	[tilespmem:$0x4140] =	vst v1  }
0x7e: {  	[tilespmem:$0x41C0] =	vst v0  }
0x7f: {  	[tilespmem:s19], [sflag:$0x2] =	stream.indirect.gather [hbm4b:s1+s15], $0x80, s18, s15, $0xb8;
	[tilespmem:$0x1CE00] =	vst v63  }
0x80: {  	_ =	swait.ge [sflag:s20], $0x2800  }
0x81: {  	[sflag:s20] =	ssyncset.done $0x0  }
0x82: {  	[sflag:s20] =	ssyncadd.s32 $0xFFFFD800  }
0x83: {  	[spmem:s3] =	stream.indirect.scatter.add.f32 [tilespmem:s14], [sflag:$0x3], $0x80, s16, s15, $0xb8;
	[tilespmem:$0x1CE00] =	vst v63  }
0x84: {  	_ =	swait.ge [sflag:s13], $0x2800  }
0x85: {  	[sflag:s13] =	ssyncset.done $0x0  }
0x86: {  	[sflag:s13] =	ssyncadd.s32 $0xFFFFD800  }
0x87: {  	v0 =	vld [tilespmem:s25+$0x100];
	_ =	sdelay $0x4  }
0x88: {  	v1 =	vand.u32 $0xFFFF, v0  }
0x89: {  	v0 =	vshra.s32 v0, $0x10;
	[tilespmem:$0x4000] =	vst v1  }
0x8a: {  	[tilespmem:$0x4080] =	vst v0  }
0x8b: {  	v0 =	vld [tilespmem:s25+$0x110];
	_ =	sdelay $0x4  }
0x8c: {  	v1 =	vand.u32 $0xFFFF, v0  }
0x8d: {  	v0 =	vshra.s32 v0, $0x10;
	[tilespmem:$0x4010] =	vst v1  }
0x8e: {  	[tilespmem:$0x4090] =	vst v0  }
0x8f: {  	v0 =	vld [tilespmem:s25+$0x120];
	_ =	sdelay $0x4  }
0x90: {  	v1 =	vand.u32 $0xFFFF, v0  }
0x91: {  	v0 =	vshra.s32 v0, $0x10;
	[tilespmem:$0x4020] =	vst v1  }
0x92: {  	[tilespmem:$0x40A0] =	vst v0  }
0x93: {  	v0 =	vld [tilespmem:s25+$0x130];
	_ =	sdelay $0x4  }
0x94: {  	v1 =	vand.u32 $0xFFFF, v0  }
0x95: {  	v0 =	vshra.s32 v0, $0x10;
	[tilespmem:$0x4030] =	vst v1  }
0x96: {  	[tilespmem:$0x40B0] =	vst v0  }
0x97: {  	s24 =	simm.s32 $0x400;
	v0 =	vld [tilespmem:s25+$0x140]  }
.LBB2_4:
0x98: {  	_ =	sdelay $0x3  }
0x99: {  	p0 =	sne.s32 s24, $0xF400;
	s25 =	smov.u32 s24;
	s24 =	sadd.s32 $0x400, s24;
	v1 =	vand.u32 $0xFFFF, v0;
	v0 =	vshra.s32 v0, $0x10  }
0x9a: {  	[tilespmem:$0x4040] =	vst v1  }
0x9b: {  	[tilespmem:$0x40C0] =	vst v0  }
0x9c: {  	[tilespmem:s14], [sflag:$0x1] =	stream.indirect.gather [hbm4b:s1+s15], $0x80, s17, s15, $0xb8;
	[tilespmem:$0x1CE00] =	vst v63  }
0x9d: {  	_ =	swait.ge [sflag:s21], $0x2800  }
0x9e: {  	[sflag:s21] =	ssyncset.done $0x0  }
0x9f: {  	[sflag:s21] =	ssyncadd.s32 $0xFFFFD800  }
0xa0: {  	[spmem:s3] =	stream.indirect.scatter.add.f32 [tilespmem:s19], [sflag:$0x3], $0x80, s22, s15, $0xb8;
	[tilespmem:$0x1CE00] =	vst v63  }
0xa1: {  	_ =	swait.ge [sflag:s13], $0x2800  }
0xa2: {  	[sflag:s13] =	ssyncset.done $0x0  }
0xa3: {  	s25 =	sshra.s32 s25, $0x2;
	[sflag:s13] =	ssyncadd.s32 $0xFFFFD800  }
0xa4: {  	v0 =	vld [tilespmem:s25+$0x80];
	_ =	sdelay $0x4  }
0xa5: {  	v1 =	vand.u32 $0xFFFF, v0;
	v0 =	vshra.s32 v0, $0x10  }
0xa6: {  	[tilespmem:$0x4100] =	vst v1  }
0xa7: {  	[tilespmem:$0x4180] =	vst v0  }
0xa8: {  	v0 =	vld [tilespmem:s25+$0x90];
	_ =	sdelay $0x4  }
0xa9: {  	v1 =	vand.u32 $0xFFFF, v0;
	v0 =	vshra.s32 v0, $0x10  }
0xaa: {  	[tilespmem:$0x4110] =	vst v1  }
0xab: {  	[tilespmem:$0x4190] =	vst v0  }
0xac: {  	v0 =	vld [tilespmem:s25+$0xA0];
	_ =	sdelay $0x4  }
0xad: {  	v1 =	vand.u32 $0xFFFF, v0;
	v0 =	vshra.s32 v0, $0x10  }
0xae: {  	[tilespmem:$0x4120] =	vst v1  }
0xaf: {  	[tilespmem:$0x41A0] =	vst v0  }
0xb0: {  	v0 =	vld [tilespmem:s25+$0xB0];
	_ =	sdelay $0x4  }
0xb1: {  	v1 =	vand.u32 $0xFFFF, v0;
	v0 =	vshra.s32 v0, $0x10  }
0xb2: {  	[tilespmem:$0x4130] =	vst v1  }
0xb3: {  	[tilespmem:$0x41B0] =	vst v0  }
0xb4: {  	v0 =	vld [tilespmem:s25+$0xC0];
	_ =	sdelay $0x4  }
0xb5: {  	v1 =	vand.u32 $0xFFFF, v0;
	v0 =	vshra.s32 v0, $0x10  }
0xb6: {  	[tilespmem:$0x4140] =	vst v1  }
0xb7: {  	[tilespmem:$0x41C0] =	vst v0  }
0xb8: {  	[tilespmem:s19], [sflag:$0x2] =	stream.indirect.gather [hbm4b:s1+s15], $0x80, s18, s15, $0xb8;
	[tilespmem:$0x1CE00] =	vst v63  }
0xb9: {  	_ =	swait.ge [sflag:s20], $0x2800  }
0xba: {  	[sflag:s20] =	ssyncset.done $0x0  }
0xbb: {  	[sflag:s20] =	ssyncadd.s32 $0xFFFFD800  }
0xbc: {  	[spmem:s3] =	stream.indirect.scatter.add.f32 [tilespmem:s14], [sflag:$0x3], $0x80, s16, s15, $0xb8;
	[tilespmem:$0x1CE00] =	vst v63  }
0xbd: {  	_ =	swait.ge [sflag:s13], $0x2800  }
0xbe: {  	[sflag:s13] =	ssyncset.done $0x0  }
0xbf: {  	[sflag:s13] =	ssyncadd.s32 $0xFFFFD800  }
0xc0: {  	v0 =	vld [tilespmem:s25+$0x100];
	_ =	sdelay $0x4  }
0xc1: {  	v1 =	vand.u32 $0xFFFF, v0;
	v0 =	vshra.s32 v0, $0x10  }
0xc2: {  	[tilespmem:$0x4000] =	vst v1  }
0xc3: {  	[tilespmem:$0x4080] =	vst v0  }
0xc4: {  	v0 =	vld [tilespmem:s25+$0x110];
	_ =	sdelay $0x4  }
0xc5: {  	v1 =	vand.u32 $0xFFFF, v0;
	v0 =	vshra.s32 v0, $0x10  }
0xc6: {  	[tilespmem:$0x4010] =	vst v1  }
0xc7: {  	[tilespmem:$0x4090] =	vst v0  }
0xc8: {  	v0 =	vld [tilespmem:s25+$0x120];
	_ =	sdelay $0x4  }
0xc9: {  	v1 =	vand.u32 $0xFFFF, v0;
	v0 =	vshra.s32 v0, $0x10  }
0xca: {  	[tilespmem:$0x4020] =	vst v1  }
0xcb: {  	[tilespmem:$0x40A0] =	vst v0  }
0xcc: {  	v0 =	vld [tilespmem:s25+$0x130];
	_ =	sdelay $0x3  }
.Ltmp1:
0xcd: {  	(pc) =	sbr.rel @p0 .LBB2_4-.Ltmp1, $4  }
0xce: {  	v1 =	vand.u32 $0xFFFF, v0;
	v0 =	vshra.s32 v0, $0x10  }
0xcf: {  	[tilespmem:$0x4030] =	vst v1  }
0xd0: {  	[tilespmem:$0x40B0] =	vst v0  }
0xd1: {  	v0 =	vld [tilespmem:s25+$0x140]  }
0xd2: {  	_ =	sdelay $0x3  }
0xd3: {  	v1 =	vand.u32 $0xFFFF, v0  }
0xd4: {  	v63 =	vshra.s32 v0, $0x10;
	[tilespmem:$0x4040] =	vst v1  }
0xd5: {  	[tilespmem:$0x40C0] =	vst v63  }
0xd6: {  	[tilespmem:s14], [sflag:$0x1] =	stream.indirect.gather [hbm4b:s1+s15], $0x80, s17, s15, $0xb8;
	[tilespmem:$0x1CE00] =	vst v63  }
0xd7: {  	_ =	swait.ge [sflag:s21], $0x2800  }
0xd8: {  	[sflag:s21] =	ssyncset.done $0x0  }
0xd9: {  	[sflag:s21] =	ssyncadd.s32 $0xFFFFD800  }
0xda: {  	[spmem:s3] =	stream.indirect.scatter.add.f32 [tilespmem:s19], [sflag:$0x3], $0x80, s22, s15, $0xb8;
	[tilespmem:$0x1CE00] =	vst v63  }
0xdb: {  	_ =	swait.ge [sflag:s13], $0x2800  }
0xdc: {  	[sflag:s13] =	ssyncset.done $0x0  }
0xdd: {  	[sflag:s13] =	ssyncadd.s32 $0xFFFFD800  }
0xde: {  	_ =	swait.ge [sflag:s20], $0x2800  }
0xdf: {  	[sflag:s20] =	ssyncset.done $0x0  }
0xe0: {  	[sflag:s20] =	ssyncadd.s32 $0xFFFFD800  }
0xe1: {  	[spmem:s3] =	stream.indirect.scatter.add.f32 [tilespmem:s14], [sflag:$0x3], $0x80, s16, s15, $0xb8;
	[tilespmem:$0x1CE00] =	vst v63  }
0xe2: {  	_ =	swait.ge [sflag:s13], $0x2800  }
0xe3: {  	s23 =	sadd.s32 $0x1, s23;
	[sflag:s13] =	ssyncset.done $0x0  }
0xe4: {  	p0 =	sne.s32 s23, s11;
	[sflag:s13] =	ssyncadd.s32 $0xFFFFD800  }
.Ltmp2:
0xe5: {  	[bflag:$0x0] =	sbarrier.arrive $0xFFFF;
	(pc) =	sbr.rel @p0 .LBB2_1-.Ltmp2, $4  }
0xe6: {  	[hbm:s10], [sflag:s7] =	dma.local [spmem:s12], $0x2780  }
0xe7: {  	_ =	swait.ge [sflag:s13], $0x2780  }
0xe8: {  	[sflag:s13] =	ssyncset.done $0x0  }
0xe9: {  	[sflag:s13] =	ssyncadd.s32 $0xFFFFD880  }
0xea: {  	_ =	sfence.sel $0x180000  }
0xeb: {  	[bflag:$0x0] =	sbarrier.arrive $0xFFFF  }
0xec: {  	p0 =	sne.s32 s2, $0x0;
	_ =	strace $0x90000047  }
0xed: {  	s0 =	sadd.s32 @!p0 $0x100000, s0;
	[bflag:$0x2] =	sbarrier.arrive $0xFFFF  }
0xee: {  	[sflag:s0] =	ssyncadd.tile.s32 @!p0 $0x1;
	_ =	shalt  }
.Lfunc_end2:
_tile_overlayer_lowered:
.L_overlay_start_2:
0xef: {  	(tag) =	ssettag $0x2  }
0xf0: {  	s0 =	rddreg [dreg:$0x0];
	s2 =	stileid.u32  }
0xf1: {  	s1 =	rddreg [dreg:$0x1];
	p0 =	sne.s32 s2, $0x0  }
0xf2: {  	s3 =	rddreg [dreg:$0x2];
	[bflag:$0x3] =	sbarrier.arrive $0xFFFF;
	s2 =	simm.s32 @!p0 $0x1C03  }
0xf3: {  	[timem:s3], [sflag:s2] =	dma.local @!p0 [hbm:s0], s1  }
0xf4: {  	s0 =	simm.s32 @!p0 $0x3  }
0xf5: {  	_ =	swait.ge @!p0 [sflag:s0], s1  }
0xf6: {  	s1 =	ssub.s32 @!p0 $0x0, s1;
	[sflag:s0] =	ssyncset.done @!p0 $0x0  }
0xf7: {  	[sflag:s0] =	ssyncadd.s32 @!p0 s1  }
0xf8: {  	[bflag:$0x3] =	sbarrier.arrive $0xFFFF  }
0xf9: {  	_ =	shalt  }

</sc_bundles>
